<compile_context>
chip_gen: v7x
topology: tpu7x:2x2x1
jax: 0.10.2.dev20260603
libtpu: 0.0.44.dev20260713+nightly
codegen_flags: <defaults>
</compile_context>

<pallas_src>
import functools

import jax
import jax.numpy as jnp
from jax import lax
from jax.experimental import pallas as pl
from jax.experimental.pallas import tpu as pltpu
from jax.experimental.pallas import tpu_sc as plsc

M = 2097152
D = 16
NC, NS, L = 2, 16, 16
NW = NC * NS
NG = 2
WPG = NW // NG

CC = 2048
NBUF = 2

SC_COLS = 262144
TC_COLS = M - SC_COLS
WCS = SC_COLS // WPG
NCHUNK = WCS // CC
TC_BN = 65536

_mesh = plsc.VectorSubcoreMesh(core_axis_name="c", subcore_axis_name="s")


@functools.partial(
    pl.kernel,
    mesh=_mesh,
    out_type=jax.ShapeDtypeStruct((D, SC_COLS), jnp.float32),
    compiler_params=pltpu.CompilerParams(use_tc_tiling_on_sc=True),
    scratch_types=[
        pltpu.VMEM((NBUF, 8, CC), jnp.float32),
        pltpu.VMEM((NBUF, 8, CC), jnp.float32),
        pltpu.VMEM((NBUF, 8, CC), jnp.float32),
        pltpu.SemaphoreType.DMA((NBUF,)),
        pltpu.SemaphoreType.DMA((NBUF,)),
        pltpu.SemaphoreType.DMA((NBUF,)),
    ],
)
def _sc_masked_add(a_hbm, b_hbm, o_hbm, a_v, b_v, o_v, la_sem, lb_sem, st_sem):
    wid = lax.axis_index("s") * NC + lax.axis_index("c")
    g = wid // WPG
    base = pl.multiple_of((wid % WPG) * WCS, CC)

    def in_rows(hbm, off):
        return hbm.at[pl.ds(g * 8, 8), pl.ds(TC_COLS + off, CC)]

    def out_rows(off):
        return o_hbm.at[pl.ds(g * 8, 8), pl.ds(off, CC)]

    def load(ci, p):
        off = pl.multiple_of(base + ci * CC, CC)
        pltpu.async_copy(in_rows(a_hbm, off), a_v.at[p], la_sem.at[p])
        pltpu.async_copy(in_rows(b_hbm, off), b_v.at[p], lb_sem.at[p])

    for p in range(NBUF):
        load(p, p)

    def pair_body(it, carry):
        for p in range(NBUF):
            ci = it * NBUF + p
            pltpu.make_async_copy(in_rows(a_hbm, base), a_v.at[p], la_sem.at[p]).wait()
            pltpu.make_async_copy(in_rows(b_hbm, base), b_v.at[p], lb_sem.at[p]).wait()

            @pl.when(ci >= NBUF)
            def _():
                pltpu.make_async_copy(
                    o_v.at[p], out_rows(base), st_sem.at[p]).wait()

            @plsc.parallel_loop(0, CC // L, unroll=4)
            def _(j):
                s = pl.ds(j * L, L)
                for r in range(8):
                    a = a_v[p, r, s]
                    b = b_v[p, r, s]
                    o_v[p, r, s] = jnp.where(a == 1.0, 0.0, a) + b

            off = pl.multiple_of(base + ci * CC, CC)
            pltpu.async_copy(o_v.at[p], out_rows(off), st_sem.at[p])

            @pl.when(ci + NBUF < NCHUNK)
            def _():
                load(ci + NBUF, p)

        return carry

    lax.fori_loop(0, NCHUNK // NBUF, pair_body, 0)

    for p in range(NBUF):
        pltpu.make_async_copy(o_v.at[p], out_rows(base), st_sem.at[p]).wait()


def _tc_body(a_ref, b_ref, o_ref):
    a = a_ref[...]
    o_ref[...] = jnp.where(a == 1.0, 0.0, a) + b_ref[...]


def kernel(x_1, x_2):
    a = x_1.T
    b = x_2.T
    sc_part = _sc_masked_add(a, b)
    tc_out = pl.pallas_call(
        _tc_body,
        grid=(TC_COLS // TC_BN,),
        in_specs=[
            pl.BlockSpec((D, TC_BN), lambda i: (0, i)),
            pl.BlockSpec((D, TC_BN), lambda i: (0, i)),
        ],
        out_specs=pl.BlockSpec((D, TC_BN), lambda i: (0, i)),
        out_shape=jax.ShapeDtypeStruct((D, M), jnp.float32),
    )(a, b)
    out = lax.dynamic_update_slice(tc_out, sc_part, (0, TC_COLS))
    return out.T

# --- scband reference (transcript-rebuilt; emitter-appended) ---
"""Pipeline reference for scband-model-3779571220690 (READ-ONLY COPY).

The authoritative reference and input builder live on the scoring server;
editing this copy changes nothing except your own understanding.
"""

import jax, jax.numpy as jnp
import numpy as np


def setup_inputs(seed: int = 0) -> dict:
    key = jax.random.key(seed)
    k1, k2 = jax.random.split(key)
    # x_1 drawn from small ints (cast to float) so the `== 1` mask actually fires,
    # matching the integer-valued semantics of the original module.
    x_1 = jax.random.randint(k1, (2097152, 16), 0, 4).astype(jnp.float32)
    x_2 = jax.random.normal(k2, (2097152, 16), dtype=jnp.float32)
    return {"x_1": x_1, "x_2": x_2}


def reference(x_1, x_2):
    # x_1[x_1 == 1] = 0  (masked scatter-overwrite)
    x_1 = jnp.where(x_1 == 1, jnp.zeros_like(x_1), x_1)
    return x_1 + x_2

if __name__ == "__main__":
    import jax
    _d = setup_inputs()
    print(jax.jit(kernel)(*tuple(_d.values())))

</pallas_src>

<mosaic_0001>
#map = affine_map<(d0, d1) -> (0, 0)>
module attributes {stable_mosaic.version = 14 : i64} {
  func.func @_sc_masked_add(%arg0: i32, %arg1: i32, %arg2: memref<16x2097152xf32, #tpu.memory_space<hbm>>, %arg3: memref<16x2097152xf32, #tpu.memory_space<hbm>>, %arg4: memref<16x262144xf32, #tpu.memory_space<hbm>>, %arg5: memref<2x8x2048xf32, #tpu.memory_space<vmem>>, %arg6: memref<2x8x2048xf32, #tpu.memory_space<vmem>>, %arg7: memref<2x8x2048xf32, #tpu.memory_space<vmem>>, %arg8: memref<2x!tpu.dma_semaphore, #tpu.memory_space<semaphore_mem>>, %arg9: memref<2x!tpu.dma_semaphore, #tpu.memory_space<semaphore_mem>>, %arg10: memref<2x!tpu.dma_semaphore, #tpu.memory_space<semaphore_mem>>) attributes {dimension_semantics = [#tpu.dimension_semantics<core_parallel>, #tpu.dimension_semantics<subcore_parallel>], iteration_bounds = array<i64: 2, 16>, scalar_prefetch = 0 : i64, scratch_operands = 6 : i64, tpu.core_type = #tpu.core_type<sc_vector_subcore>, window_params = [{transform_indices = #map}, {transform_indices = #map}, {transform_indices = #map}]} {
    %mul3A = arith.constant 2 : i32
    %mul3A_0 = arith.muli %arg1, %mul3A : i32
    %add3A = arith.addi %mul3A_0, %arg0 : i32
    %jit3A = arith.constant 16 : i32
    %div3A = arith.divsi %add3A, %jit3A : i32
    %sign3A = arith.constant 0 : i32
    %sign3A_1 = arith.cmpi sgt, %add3A, %sign3A : i32
    %sign3A_2 = arith.extui %sign3A_1 : i1 to i32
    %sign3A_3 = arith.constant 0 : i32
    %sign3A_4 = arith.cmpi slt, %add3A, %sign3A_3 : i32
    %sign3A_5 = arith.extui %sign3A_4 : i1 to i32
    %sign3A_6 = arith.subi %sign3A_2, %sign3A_5 : i32
    %sign3A_7 = arith.constant 0 : i32
    %sign3A_8 = arith.cmpi sgt, %jit3A, %sign3A_7 : i32
    %sign3A_9 = arith.extui %sign3A_8 : i1 to i32
    %sign3A_10 = arith.constant 0 : i32
    %sign3A_11 = arith.cmpi slt, %jit3A, %sign3A_10 : i32
    %sign3A_12 = arith.extui %sign3A_11 : i1 to i32
    %sign3A_13 = arith.subi %sign3A_9, %sign3A_12 : i32
    %ne3A = arith.cmpi ne, %sign3A_6, %sign3A_13 : i32
    %rem3A = arith.remsi %add3A, %jit3A : i32
    %ne3A_14 = arith.constant 0 : i32
    %ne3A_15 = arith.cmpi ne, %rem3A, %ne3A_14 : i32
    %and3A = arith.andi %ne3A, %ne3A_15 : i1
    %sub3A = arith.constant 1 : i32
    %sub3A_16 = arith.subi %div3A, %sub3A : i32
    %select_n3A = arith.select %and3A, %sub3A_16, %div3A : i32
    %jit3A_17 = arith.constant 16 : i32
    %eq3A = arith.constant 0 : i32
    %eq3A_18 = arith.cmpi eq, %jit3A_17, %eq3A : i32
    %jit3A_19 = arith.constant 1 : i32
    %select_n3A_20 = arith.select %eq3A_18, %jit3A_19, %jit3A_17 : i32
    %rem3A_21 = arith.remsi %add3A, %select_n3A_20 : i32
    %ne3A_22 = arith.constant 0 : i32
    %ne3A_23 = arith.cmpi ne, %rem3A_21, %ne3A_22 : i32
    %lt3A = arith.constant 0 : i32
    %lt3A_24 = arith.cmpi slt, %rem3A_21, %lt3A : i32
    %lt3A_25 = arith.constant 0 : i32
    %lt3A_26 = arith.cmpi slt, %select_n3A_20, %lt3A_25 : i32
    %ne3A_27 = arith.xori %lt3A_24, %lt3A_26 : i1
    %and3A_28 = arith.andi %ne3A_27, %ne3A_23 : i1
    %add3A_29 = arith.addi %rem3A_21, %select_n3A_20 : i32
    %select_n3A_30 = arith.select %and3A_28, %add3A_29, %rem3A_21 : i32
    %mul3A_31 = arith.constant 16384 : i32
    %mul3A_32 = arith.muli %select_n3A_30, %mul3A_31 : i32
    %multiple_of3A = tpu.assume_multiple %mul3A_32, 2048 : i32
    %add3A_33 = arith.constant 0 : i32
    %add3A_34 = arith.addi %multiple_of3A, %add3A_33 : i32
    %multiple_of3A_35 = tpu.assume_multiple %add3A_34, 2048 : i32
    %mul3A_36 = arith.constant 8 : i32
    %mul3A_37 = arith.muli %select_n3A, %mul3A_36 : i32
    %add3A_38 = arith.constant 1835008 : i32
    %add3A_39 = arith.addi %add3A_38, %multiple_of3A_35 : i32
    %dma_start3A = arith.constant 0 : i32
    %dma_start3A_40 = arith.constant 0 : i32
    %dma_start3A_41 = arith.constant 0 : i32
    %dma_start3A_42 = arith.constant 0 : i32
    %dma_start3A_43 = tpu.memref_slice %arg5[%dma_start3A, %dma_start3A_41, %dma_start3A_42] : memref<2x8x2048xf32, #tpu.memory_space<vmem>> -> memref<1x8x2048xf32, #tpu.memory_space<vmem>>
    %dma_start3A_44 = tpu.memref_squeeze %dma_start3A_43 : memref<1x8x2048xf32, #tpu.memory_space<vmem>> -> memref<8x2048xf32, #tpu.memory_space<vmem>>
    %dma_start3A_45 = tpu.memref_slice %arg2[%mul3A_37, %add3A_39] : memref<16x2097152xf32, #tpu.memory_space<hbm>> -> memref<8x2048xf32, #tpu.memory_space<hbm>>
    %dma_start3A_46 = tpu.memref_slice %arg8[%dma_start3A_40] : memref<2x!tpu.dma_semaphore, #tpu.memory_space<semaphore_mem>> -> memref<1x!tpu.dma_semaphore, #tpu.memory_space<semaphore_mem>>
    %dma_start3A_47 = tpu.memref_squeeze %dma_start3A_46 : memref<1x!tpu.dma_semaphore, #tpu.memory_space<semaphore_mem>> -> memref<!tpu.dma_semaphore, #tpu.memory_space<semaphore_mem>>
    %dma_start3A_48 = arith.constant 0 : i32
    %dma_start3A_49 = arith.constant 0 : i32
    %dma_start3A_50 = tpu.memref_slice %arg5[%dma_start3A, %dma_start3A_48, %dma_start3A_49] : memref<2x8x2048xf32, #tpu.memory_space<vmem>> -> memref<1x8x2048xf32, #tpu.memory_space<vmem>>
    %dma_start3A_51 = tpu.memref_squeeze %dma_start3A_50 : memref<1x8x2048xf32, #tpu.memory_space<vmem>> -> memref<8x2048xf32, #tpu.memory_space<vmem>>
    %dma_start3A_52 = tpu.memref_slice %arg2[%mul3A_37, %add3A_39] : memref<16x2097152xf32, #tpu.memory_space<hbm>> -> memref<8x2048xf32, #tpu.memory_space<hbm>>
    tpu.enqueue_dma source(%dma_start3A_52 : memref<8x2048xf32, #tpu.memory_space<hbm>>) target(%dma_start3A_51 : memref<8x2048xf32, #tpu.memory_space<vmem>>) target_semaphore(%dma_start3A_47 : memref<!tpu.dma_semaphore, #tpu.memory_space<semaphore_mem>>)
    %mul3A_53 = arith.constant 8 : i32
    %mul3A_54 = arith.muli %select_n3A, %mul3A_53 : i32
    %add3A_55 = arith.constant 1835008 : i32
    %add3A_56 = arith.addi %add3A_55, %multiple_of3A_35 : i32
    %dma_start3A_57 = arith.constant 0 : i32
    %dma_start3A_58 = arith.constant 0 : i32
    %dma_start3A_59 = arith.constant 0 : i32
    %dma_start3A_60 = arith.constant 0 : i32
    %dma_start3A_61 = tpu.memref_slice %arg6[%dma_start3A_57, %dma_start3A_59, %dma_start3A_60] : memref<2x8x2048xf32, #tpu.memory_space<vmem>> -> memref<1x8x2048xf32, #tpu.memory_space<vmem>>
    %dma_start3A_62 = tpu.memref_squeeze %dma_start3A_61 : memref<1x8x2048xf32, #tpu.memory_space<vmem>> -> memref<8x2048xf32, #tpu.memory_space<vmem>>
    %dma_start3A_63 = tpu.memref_slice %arg3[%mul3A_54, %add3A_56] : memref<16x2097152xf32, #tpu.memory_space<hbm>> -> memref<8x2048xf32, #tpu.memory_space<hbm>>
    %dma_start3A_64 = tpu.memref_slice %arg9[%dma_start3A_58] : memref<2x!tpu.dma_semaphore, #tpu.memory_space<semaphore_mem>> -> memref<1x!tpu.dma_semaphore, #tpu.memory_space<semaphore_mem>>
    %dma_start3A_65 = tpu.memref_squeeze %dma_start3A_64 : memref<1x!tpu.dma_semaphore, #tpu.memory_space<semaphore_mem>> -> memref<!tpu.dma_semaphore, #tpu.memory_space<semaphore_mem>>
    %dma_start3A_66 = arith.constant 0 : i32
    %dma_start3A_67 = arith.constant 0 : i32
    %dma_start3A_68 = tpu.memref_slice %arg6[%dma_start3A_57, %dma_start3A_66, %dma_start3A_67] : memref<2x8x2048xf32, #tpu.memory_space<vmem>> -> memref<1x8x2048xf32, #tpu.memory_space<vmem>>
    %dma_start3A_69 = tpu.memref_squeeze %dma_start3A_68 : memref<1x8x2048xf32, #tpu.memory_space<vmem>> -> memref<8x2048xf32, #tpu.memory_space<vmem>>
    %dma_start3A_70 = tpu.memref_slice %arg3[%mul3A_54, %add3A_56] : memref<16x2097152xf32, #tpu.memory_space<hbm>> -> memref<8x2048xf32, #tpu.memory_space<hbm>>
    tpu.enqueue_dma source(%dma_start3A_70 : memref<8x2048xf32, #tpu.memory_space<hbm>>) target(%dma_start3A_69 : memref<8x2048xf32, #tpu.memory_space<vmem>>) target_semaphore(%dma_start3A_65 : memref<!tpu.dma_semaphore, #tpu.memory_space<semaphore_mem>>)
    %add3A_71 = arith.constant 2048 : i32
    %add3A_72 = arith.addi %multiple_of3A, %add3A_71 : i32
    %multiple_of3A_73 = tpu.assume_multiple %add3A_72, 2048 : i32
    %mul3A_74 = arith.constant 8 : i32
    %mul3A_75 = arith.muli %select_n3A, %mul3A_74 : i32
    %add3A_76 = arith.constant 1835008 : i32
    %add3A_77 = arith.addi %add3A_76, %multiple_of3A_73 : i32
    %dma_start3A_78 = arith.constant 1 : i32
    %dma_start3A_79 = arith.constant 1 : i32
    %dma_start3A_80 = arith.constant 0 : i32
    %dma_start3A_81 = arith.constant 0 : i32
    %dma_start3A_82 = tpu.memref_slice %arg5[%dma_start3A_78, %dma_start3A_80, %dma_start3A_81] : memref<2x8x2048xf32, #tpu.memory_space<vmem>> -> memref<1x8x2048xf32, #tpu.memory_space<vmem>>
    %dma_start3A_83 = tpu.memref_squeeze %dma_start3A_82 : memref<1x8x2048xf32, #tpu.memory_space<vmem>> -> memref<8x2048xf32, #tpu.memory_space<vmem>>
    %dma_start3A_84 = tpu.memref_slice %arg2[%mul3A_75, %add3A_77] : memref<16x2097152xf32, #tpu.memory_space<hbm>> -> memref<8x2048xf32, #tpu.memory_space<hbm>>
    %dma_start3A_85 = tpu.memref_slice %arg8[%dma_start3A_79] : memref<2x!tpu.dma_semaphore, #tpu.memory_space<semaphore_mem>> -> memref<1x!tpu.dma_semaphore, #tpu.memory_space<semaphore_mem>>
    %dma_start3A_86 = tpu.memref_squeeze %dma_start3A_85 : memref<1x!tpu.dma_semaphore, #tpu.memory_space<semaphore_mem>> -> memref<!tpu.dma_semaphore, #tpu.memory_space<semaphore_mem>>
    %dma_start3A_87 = arith.constant 0 : i32
    %dma_start3A_88 = arith.constant 0 : i32
    %dma_start3A_89 = tpu.memref_slice %arg5[%dma_start3A_78, %dma_start3A_87, %dma_start3A_88] : memref<2x8x2048xf32, #tpu.memory_space<vmem>> -> memref<1x8x2048xf32, #tpu.memory_space<vmem>>
    %dma_start3A_90 = tpu.memref_squeeze %dma_start3A_89 : memref<1x8x2048xf32, #tpu.memory_space<vmem>> -> memref<8x2048xf32, #tpu.memory_space<vmem>>
    %dma_start3A_91 = tpu.memref_slice %arg2[%mul3A_75, %add3A_77] : memref<16x2097152xf32, #tpu.memory_space<hbm>> -> memref<8x2048xf32, #tpu.memory_space<hbm>>
    tpu.enqueue_dma source(%dma_start3A_91 : memref<8x2048xf32, #tpu.memory_space<hbm>>) target(%dma_start3A_90 : memref<8x2048xf32, #tpu.memory_space<vmem>>) target_semaphore(%dma_start3A_86 : memref<!tpu.dma_semaphore, #tpu.memory_space<semaphore_mem>>)
    %mul3A_92 = arith.constant 8 : i32
    %mul3A_93 = arith.muli %select_n3A, %mul3A_92 : i32
    %add3A_94 = arith.constant 1835008 : i32
    %add3A_95 = arith.addi %add3A_94, %multiple_of3A_73 : i32
    %dma_start3A_96 = arith.constant 1 : i32
    %dma_start3A_97 = arith.constant 1 : i32
    %dma_start3A_98 = arith.constant 0 : i32
    %dma_start3A_99 = arith.constant 0 : i32
    %dma_start3A_100 = tpu.memref_slice %arg6[%dma_start3A_96, %dma_start3A_98, %dma_start3A_99] : memref<2x8x2048xf32, #tpu.memory_space<vmem>> -> memref<1x8x2048xf32, #tpu.memory_space<vmem>>
    %dma_start3A_101 = tpu.memref_squeeze %dma_start3A_100 : memref<1x8x2048xf32, #tpu.memory_space<vmem>> -> memref<8x2048xf32, #tpu.memory_space<vmem>>
    %dma_start3A_102 = tpu.memref_slice %arg3[%mul3A_93, %add3A_95] : memref<16x2097152xf32, #tpu.memory_space<hbm>> -> memref<8x2048xf32, #tpu.memory_space<hbm>>
    %dma_start3A_103 = tpu.memref_slice %arg9[%dma_start3A_97] : memref<2x!tpu.dma_semaphore, #tpu.memory_space<semaphore_mem>> -> memref<1x!tpu.dma_semaphore, #tpu.memory_space<semaphore_mem>>
    %dma_start3A_104 = tpu.memref_squeeze %dma_start3A_103 : memref<1x!tpu.dma_semaphore, #tpu.memory_space<semaphore_mem>> -> memref<!tpu.dma_semaphore, #tpu.memory_space<semaphore_mem>>
    %dma_start3A_105 = arith.constant 0 : i32
    %dma_start3A_106 = arith.constant 0 : i32
    %dma_start3A_107 = tpu.memref_slice %arg6[%dma_start3A_96, %dma_start3A_105, %dma_start3A_106] : memref<2x8x2048xf32, #tpu.memory_space<vmem>> -> memref<1x8x2048xf32, #tpu.memory_space<vmem>>
    %dma_start3A_108 = tpu.memref_squeeze %dma_start3A_107 : memref<1x8x2048xf32, #tpu.memory_space<vmem>> -> memref<8x2048xf32, #tpu.memory_space<vmem>>
    %dma_start3A_109 = tpu.memref_slice %arg3[%mul3A_93, %add3A_95] : memref<16x2097152xf32, #tpu.memory_space<hbm>> -> memref<8x2048xf32, #tpu.memory_space<hbm>>
    tpu.enqueue_dma source(%dma_start3A_109 : memref<8x2048xf32, #tpu.memory_space<hbm>>) target(%dma_start3A_108 : memref<8x2048xf32, #tpu.memory_space<vmem>>) target_semaphore(%dma_start3A_104 : memref<!tpu.dma_semaphore, #tpu.memory_space<semaphore_mem>>)
    %scan3A = arith.constant 0 : i32
    %scan3A_110 = arith.constant 0 : i32
    %scan3A_111 = arith.constant 4 : i32
    %scan3A_112 = arith.addi %scan3A_110, %scan3A_111 : i32
    %scan3A_113 = arith.constant 1 : i32
    scf.for %scan3A_146 = %scan3A_110 to %scan3A_112 step %scan3A_113  : i32 {
      %mul3A_147 = arith.constant 2 : i32
      %mul3A_148 = arith.muli %scan3A_146, %mul3A_147 : i32
      %add3A_149 = arith.constant 0 : i32
      %add3A_150 = arith.addi %mul3A_148, %add3A_149 : i32
      %mul3A_151 = arith.constant 8 : i32
      %mul3A_152 = arith.muli %select_n3A, %mul3A_151 : i32
      %add3A_153 = arith.constant 1835008 : i32
      %add3A_154 = arith.addi %add3A_153, %multiple_of3A : i32
      %dma_wait3A_155 = arith.constant 0 : i32
      %dma_wait3A_156 = arith.constant 0 : i32
      %dma_wait3A_157 = arith.constant 0 : i32
      %dma_wait3A_158 = arith.constant 0 : i32
      %dma_wait3A_159 = tpu.memref_slice %arg5[%dma_wait3A_155, %dma_wait3A_157, %dma_wait3A_158] : memref<2x8x2048xf32, #tpu.memory_space<vmem>> -> memref<1x8x2048xf32, #tpu.memory_space<vmem>>
      %dma_wait3A_160 = tpu.memref_squeeze %dma_wait3A_159 : memref<1x8x2048xf32, #tpu.memory_space<vmem>> -> memref<8x2048xf32, #tpu.memory_space<vmem>>
      %dma_wait3A_161 = tpu.memref_slice %arg2[%mul3A_152, %add3A_154] : memref<16x2097152xf32, #tpu.memory_space<hbm>> -> memref<8x2048xf32, #tpu.memory_space<hbm>>
      %dma_wait3A_162 = tpu.memref_slice %arg8[%dma_wait3A_156] : memref<2x!tpu.dma_semaphore, #tpu.memory_space<semaphore_mem>> -> memref<1x!tpu.dma_semaphore, #tpu.memory_space<semaphore_mem>>
      %dma_wait3A_163 = tpu.memref_squeeze %dma_wait3A_162 : memref<1x!tpu.dma_semaphore, #tpu.memory_space<semaphore_mem>> -> memref<!tpu.dma_semaphore, #tpu.memory_space<semaphore_mem>>
      %dma_wait3A_164 = arith.constant 0 : i32
      %dma_wait3A_165 = arith.constant 0 : i32
      %dma_wait3A_166 = tpu.memref_slice %arg5[%dma_wait3A_155, %dma_wait3A_164, %dma_wait3A_165] : memref<2x8x2048xf32, #tpu.memory_space<vmem>> -> memref<1x8x2048xf32, #tpu.memory_space<vmem>>
      %dma_wait3A_167 = tpu.memref_squeeze %dma_wait3A_166 : memref<1x8x2048xf32, #tpu.memory_space<vmem>> -> memref<8x2048xf32, #tpu.memory_space<vmem>>
      %dma_wait3A_168 = tpu.memref_slice %arg2[%mul3A_152, %add3A_154] : memref<16x2097152xf32, #tpu.memory_space<hbm>> -> memref<8x2048xf32, #tpu.memory_space<hbm>>
      tpu.wait_dma2 semaphore(%dma_wait3A_163 : memref<!tpu.dma_semaphore, #tpu.memory_space<semaphore_mem>>) src(%dma_wait3A_168 : memref<8x2048xf32, #tpu.memory_space<hbm>>) dst(%dma_wait3A_167 : memref<8x2048xf32, #tpu.memory_space<vmem>>)
      %mul3A_169 = arith.constant 8 : i32
      %mul3A_170 = arith.muli %select_n3A, %mul3A_169 : i32
      %add3A_171 = arith.constant 1835008 : i32
      %add3A_172 = arith.addi %add3A_171, %multiple_of3A : i32
      %dma_wait3A_173 = arith.constant 0 : i32
      %dma_wait3A_174 = arith.constant 0 : i32
      %dma_wait3A_175 = arith.constant 0 : i32
      %dma_wait3A_176 = arith.constant 0 : i32
      %dma_wait3A_177 = tpu.memref_slice %arg6[%dma_wait3A_173, %dma_wait3A_175, %dma_wait3A_176] : memref<2x8x2048xf32, #tpu.memory_space<vmem>> -> memref<1x8x2048xf32, #tpu.memory_space<vmem>>
      %dma_wait3A_178 = tpu.memref_squeeze %dma_wait3A_177 : memref<1x8x2048xf32, #tpu.memory_space<vmem>> -> memref<8x2048xf32, #tpu.memory_space<vmem>>
      %dma_wait3A_179 = tpu.memref_slice %arg3[%mul3A_170, %add3A_172] : memref<16x2097152xf32, #tpu.memory_space<hbm>> -> memref<8x2048xf32, #tpu.memory_space<hbm>>
      %dma_wait3A_180 = tpu.memref_slice %arg9[%dma_wait3A_174] : memref<2x!tpu.dma_semaphore, #tpu.memory_space<semaphore_mem>> -> memref<1x!tpu.dma_semaphore, #tpu.memory_space<semaphore_mem>>
      %dma_wait3A_181 = tpu.memref_squeeze %dma_wait3A_180 : memref<1x!tpu.dma_semaphore, #tpu.memory_space<semaphore_mem>> -> memref<!tpu.dma_semaphore, #tpu.memory_space<semaphore_mem>>
      %dma_wait3A_182 = arith.constant 0 : i32
      %dma_wait3A_183 = arith.constant 0 : i32
      %dma_wait3A_184 = tpu.memref_slice %arg6[%dma_wait3A_173, %dma_wait3A_182, %dma_wait3A_183] : memref<2x8x2048xf32, #tpu.memory_space<vmem>> -> memref<1x8x2048xf32, #tpu.memory_space<vmem>>
      %dma_wait3A_185 = tpu.memref_squeeze %dma_wait3A_184 : memref<1x8x2048xf32, #tpu.memory_space<vmem>> -> memref<8x2048xf32, #tpu.memory_space<vmem>>
      %dma_wait3A_186 = tpu.memref_slice %arg3[%mul3A_170, %add3A_172] : memref<16x2097152xf32, #tpu.memory_space<hbm>> -> memref<8x2048xf32, #tpu.memory_space<hbm>>
      tpu.wait_dma2 semaphore(%dma_wait3A_181 : memref<!tpu.dma_semaphore, #tpu.memory_space<semaphore_mem>>) src(%dma_wait3A_186 : memref<8x2048xf32, #tpu.memory_space<hbm>>) dst(%dma_wait3A_185 : memref<8x2048xf32, #tpu.memory_space<vmem>>)
      %ge3A = arith.constant 2 : i32
      %ge3A_187 = arith.cmpi sge, %add3A_150, %ge3A : i32
      %convert_element_type3A = arith.extui %ge3A_187 : i1 to i32
      %cond3A = arith.constant 0 : i32
      %cond3A_188 = arith.cmpi ne, %convert_element_type3A, %cond3A : i32
      scf.if %cond3A_188 {
        %mul3A_293 = arith.constant 8 : i32
        %mul3A_294 = arith.muli %select_n3A, %mul3A_293 : i32
        %dma_wait3A_295 = arith.constant 0 : i32
        %dma_wait3A_296 = arith.constant 0 : i32
        %dma_wait3A_297 = arith.constant 0 : i32
        %dma_wait3A_298 = arith.constant 0 : i32
        %dma_wait3A_299 = tpu.memref_slice %arg7[%dma_wait3A_295, %dma_wait3A_297, %dma_wait3A_298] : memref<2x8x2048xf32, #tpu.memory_space<vmem>> -> memref<1x8x2048xf32, #tpu.memory_space<vmem>>
        %dma_wait3A_300 = tpu.memref_squeeze %dma_wait3A_299 : memref<1x8x2048xf32, #tpu.memory_space<vmem>> -> memref<8x2048xf32, #tpu.memory_space<vmem>>
        %dma_wait3A_301 = tpu.memref_slice %arg4[%mul3A_294, %multiple_of3A] : memref<16x262144xf32, #tpu.memory_space<hbm>> -> memref<8x2048xf32, #tpu.memory_space<hbm>>
        %dma_wait3A_302 = tpu.memref_slice %arg10[%dma_wait3A_296] : memref<2x!tpu.dma_semaphore, #tpu.memory_space<semaphore_mem>> -> memref<1x!tpu.dma_semaphore, #tpu.memory_space<semaphore_mem>>
        %dma_wait3A_303 = tpu.memref_squeeze %dma_wait3A_302 : memref<1x!tpu.dma_semaphore, #tpu.memory_space<semaphore_mem>> -> memref<!tpu.dma_semaphore, #tpu.memory_space<semaphore_mem>>
        %dma_wait3A_304 = tpu.memref_slice %arg4[%mul3A_294, %multiple_of3A] : memref<16x262144xf32, #tpu.memory_space<hbm>> -> memref<8x2048xf32, #tpu.memory_space<hbm>>
        %dma_wait3A_305 = arith.constant 0 : i32
        %dma_wait3A_306 = arith.constant 0 : i32
        %dma_wait3A_307 = tpu.memref_slice %arg7[%dma_wait3A_295, %dma_wait3A_305, %dma_wait3A_306] : memref<2x8x2048xf32, #tpu.memory_space<vmem>> -> memref<1x8x2048xf32, #tpu.memory_space<vmem>>
        %dma_wait3A_308 = tpu.memref_squeeze %dma_wait3A_307 : memref<1x8x2048xf32, #tpu.memory_space<vmem>> -> memref<8x2048xf32, #tpu.memory_space<vmem>>
        tpu.wait_dma2 semaphore(%dma_wait3A_303 : memref<!tpu.dma_semaphore, #tpu.memory_space<semaphore_mem>>) src(%dma_wait3A_308 : memref<8x2048xf32, #tpu.memory_space<vmem>>) dst(%dma_wait3A_304 : memref<8x2048xf32, #tpu.memory_space<hbm>>)
      } else {
      }
      %parallel_loop3A = arith.constant 0 : i32
      %parallel_loop3A_189 = arith.constant 128 : i32
      %parallel_loop3A_190 = arith.constant 1 : i32
      scf.for %parallel_loop3A_293 = %parallel_loop3A to %parallel_loop3A_189 step %parallel_loop3A_190  : i32 {
        %parallel_loop3A_294 = arith.constant 16 : i32
        %parallel_loop3A_295 = arith.muli %parallel_loop3A_293, %parallel_loop3A_294 : i32
        %parallel_loop3A_296 = arith.constant 0 : i32
        %parallel_loop3A_297 = arith.constant 0 : i32
        %parallel_loop3A_298 = arith.index_cast %parallel_loop3A_296 : i32 to index
        %parallel_loop3A_299 = arith.index_cast %parallel_loop3A_297 : i32 to index
        %parallel_loop3A_300 = arith.index_cast %parallel_loop3A_295 : i32 to index
        %parallel_loop3A_301 = tpu.vector_load %arg5[%parallel_loop3A_298, %parallel_loop3A_299, %parallel_loop3A_300] {strides = array<i32>} : memref<2x8x2048xf32, #tpu.memory_space<vmem>>, vector<1x1x16xf32>,
        %parallel_loop3A_302 = vector.shape_cast %parallel_loop3A_301 : vector<1x1x16xf32> to vector<16xf32>
        %parallel_loop3A_303 = arith.constant 0 : i32
        %parallel_loop3A_304 = arith.constant 0 : i32
        %parallel_loop3A_305 = arith.index_cast %parallel_loop3A_303 : i32 to index
        %parallel_loop3A_306 = arith.index_cast %parallel_loop3A_304 : i32 to index
        %parallel_loop3A_307 = arith.index_cast %parallel_loop3A_295 : i32 to index
        %parallel_loop3A_308 = tpu.vector_load %arg6[%parallel_loop3A_305, %parallel_loop3A_306, %parallel_loop3A_307] {strides = array<i32>} : memref<2x8x2048xf32, #tpu.memory_space<vmem>>, vector<1x1x16xf32>,
        %parallel_loop3A_309 = vector.shape_cast %parallel_loop3A_308 : vector<1x1x16xf32> to vector<16xf32>
        %parallel_loop3A_310 = arith.constant 1.000000e+00 : f32
        %parallel_loop3A_311 = vector.broadcast %parallel_loop3A_310 : f32 to vector<16xf32>
        %parallel_loop3A_312 = arith.cmpf oeq, %parallel_loop3A_302, %parallel_loop3A_311 : vector<16xf32>
        %parallel_loop3A_313 = arith.constant 0.000000e+00 : f32
        %parallel_loop3A_314 = vector.broadcast %parallel_loop3A_313 : f32 to vector<16xf32>
        %parallel_loop3A_315 = arith.select %parallel_loop3A_312, %parallel_loop3A_314, %parallel_loop3A_302 : vector<16xi1>, vector<16xf32>
        %parallel_loop3A_316 = arith.addf %parallel_loop3A_315, %parallel_loop3A_309 : vector<16xf32>
        %parallel_loop3A_317 = arith.constant 0 : i32
        %parallel_loop3A_318 = arith.constant 0 : i32
        %parallel_loop3A_319 = arith.index_cast %parallel_loop3A_317 : i32 to index
        %parallel_loop3A_320 = arith.index_cast %parallel_loop3A_318 : i32 to index
        %parallel_loop3A_321 = arith.index_cast %parallel_loop3A_295 : i32 to index
        %parallel_loop3A_322 = tpu.vector_load %arg7[%parallel_loop3A_319, %parallel_loop3A_320, %parallel_loop3A_321] {strides = array<i32>} : memref<2x8x2048xf32, #tpu.memory_space<vmem>>, vector<1x1x16xf32>,
        %parallel_loop3A_323 = vector.shape_cast %parallel_loop3A_322 : vector<1x1x16xf32> to vector<16xf32>
        %parallel_loop3A_324 = vector.shape_cast %parallel_loop3A_316 : vector<16xf32> to vector<1x1x16xf32>
        tpu.vector_store %arg7[%parallel_loop3A_319, %parallel_loop3A_320, %parallel_loop3A_321], %parallel_loop3A_324 {strides = array<i32>} : memref<2x8x2048xf32, #tpu.memory_space<vmem>>, vector<1x1x16xf32>,
        %parallel_loop3A_325 = arith.constant 0 : i32
        %parallel_loop3A_326 = arith.constant 1 : i32
        %parallel_loop3A_327 = arith.index_cast %parallel_loop3A_325 : i32 to index
        %parallel_loop3A_328 = arith.index_cast %parallel_loop3A_326 : i32 to index
        %parallel_loop3A_329 = arith.index_cast %parallel_loop3A_295 : i32 to index
        %parallel_loop3A_330 = tpu.vector_load %arg5[%parallel_loop3A_327, %parallel_loop3A_328, %parallel_loop3A_329] {strides = array<i32>} : memref<2x8x2048xf32, #tpu.memory_space<vmem>>, vector<1x1x16xf32>,
        %parallel_loop3A_331 = vector.shape_cast %parallel_loop3A_330 : vector<1x1x16xf32> to vector<16xf32>
        %parallel_loop3A_332 = arith.constant 0 : i32
        %parallel_loop3A_333 = arith.constant 1 : i32
        %parallel_loop3A_334 = arith.index_cast %parallel_loop3A_332 : i32 to index
        %parallel_loop3A_335 = arith.index_cast %parallel_loop3A_333 : i32 to index
        %parallel_loop3A_336 = arith.index_cast %parallel_loop3A_295 : i32 to index
        %parallel_loop3A_337 = tpu.vector_load %arg6[%parallel_loop3A_334, %parallel_loop3A_335, %parallel_loop3A_336] {strides = array<i32>} : memref<2x8x2048xf32, #tpu.memory_space<vmem>>, vector<1x1x16xf32>,
        %parallel_loop3A_338 = vector.shape_cast %parallel_loop3A_337 : vector<1x1x16xf32> to vector<16xf32>
        %parallel_loop3A_339 = arith.constant 1.000000e+00 : f32
        %parallel_loop3A_340 = vector.broadcast %parallel_loop3A_339 : f32 to vector<16xf32>
        %parallel_loop3A_341 = arith.cmpf oeq, %parallel_loop3A_331, %parallel_loop3A_340 : vector<16xf32>
        %parallel_loop3A_342 = arith.constant 0.000000e+00 : f32
        %parallel_loop3A_343 = vector.broadcast %parallel_loop3A_342 : f32 to vector<16xf32>
        %parallel_loop3A_344 = arith.select %parallel_loop3A_341, %parallel_loop3A_343, %parallel_loop3A_331 : vector<16xi1>, vector<16xf32>
        %parallel_loop3A_345 = arith.addf %parallel_loop3A_344, %parallel_loop3A_338 : vector<16xf32>
        %parallel_loop3A_346 = arith.constant 0 : i32
        %parallel_loop3A_347 = arith.constant 1 : i32
        %parallel_loop3A_348 = arith.index_cast %parallel_loop3A_346 : i32 to index
        %parallel_loop3A_349 = arith.index_cast %parallel_loop3A_347 : i32 to index
        %parallel_loop3A_350 = arith.index_cast %parallel_loop3A_295 : i32 to index
        %parallel_loop3A_351 = tpu.vector_load %arg7[%parallel_loop3A_348, %parallel_loop3A_349, %parallel_loop3A_350] {strides = array<i32>} : memref<2x8x2048xf32, #tpu.memory_space<vmem>>, vector<1x1x16xf32>,
        %parallel_loop3A_352 = vector.shape_cast %parallel_loop3A_351 : vector<1x1x16xf32> to vector<16xf32>
        %parallel_loop3A_353 = vector.shape_cast %parallel_loop3A_345 : vector<16xf32> to vector<1x1x16xf32>
        tpu.vector_store %arg7[%parallel_loop3A_348, %parallel_loop3A_349, %parallel_loop3A_350], %parallel_loop3A_353 {strides = array<i32>} : memref<2x8x2048xf32, #tpu.memory_space<vmem>>, vector<1x1x16xf32>,
        %parallel_loop3A_354 = arith.constant 0 : i32
        %parallel_loop3A_355 = arith.constant 2 : i32
        %parallel_loop3A_356 = arith.index_cast %parallel_loop3A_354 : i32 to index
        %parallel_loop3A_357 = arith.index_cast %parallel_loop3A_355 : i32 to index
        %parallel_loop3A_358 = arith.index_cast %parallel_loop3A_295 : i32 to index
        %parallel_loop3A_359 = tpu.vector_load %arg5[%parallel_loop3A_356, %parallel_loop3A_357, %parallel_loop3A_358] {strides = array<i32>} : memref<2x8x2048xf32, #tpu.memory_space<vmem>>, vector<1x1x16xf32>,
        %parallel_loop3A_360 = vector.shape_cast %parallel_loop3A_359 : vector<1x1x16xf32> to vector<16xf32>
        %parallel_loop3A_361 = arith.constant 0 : i32
        %parallel_loop3A_362 = arith.constant 2 : i32
        %parallel_loop3A_363 = arith.index_cast %parallel_loop3A_361 : i32 to index
        %parallel_loop3A_364 = arith.index_cast %parallel_loop3A_362 : i32 to index
        %parallel_loop3A_365 = arith.index_cast %parallel_loop3A_295 : i32 to index
        %parallel_loop3A_366 = tpu.vector_load %arg6[%parallel_loop3A_363, %parallel_loop3A_364, %parallel_loop3A_365] {strides = array<i32>} : memref<2x8x2048xf32, #tpu.memory_space<vmem>>, vector<1x1x16xf32>,
        %parallel_loop3A_367 = vector.shape_cast %parallel_loop3A_366 : vector<1x1x16xf32> to vector<16xf32>
        %parallel_loop3A_368 = arith.constant 1.000000e+00 : f32
        %parallel_loop3A_369 = vector.broadcast %parallel_loop3A_368 : f32 to vector<16xf32>
        %parallel_loop3A_370 = arith.cmpf oeq, %parallel_loop3A_360, %parallel_loop3A_369 : vector<16xf32>
        %parallel_loop3A_371 = arith.constant 0.000000e+00 : f32
        %parallel_loop3A_372 = vector.broadcast %parallel_loop3A_371 : f32 to vector<16xf32>
        %parallel_loop3A_373 = arith.select %parallel_loop3A_370, %parallel_loop3A_372, %parallel_loop3A_360 : vector<16xi1>, vector<16xf32>
        %parallel_loop3A_374 = arith.addf %parallel_loop3A_373, %parallel_loop3A_367 : vector<16xf32>
        %parallel_loop3A_375 = arith.constant 0 : i32
        %parallel_loop3A_376 = arith.constant 2 : i32
        %parallel_loop3A_377 = arith.index_cast %parallel_loop3A_375 : i32 to index
        %parallel_loop3A_378 = arith.index_cast %parallel_loop3A_376 : i32 to index
        %parallel_loop3A_379 = arith.index_cast %parallel_loop3A_295 : i32 to index
        %parallel_loop3A_380 = tpu.vector_load %arg7[%parallel_loop3A_377, %parallel_loop3A_378, %parallel_loop3A_379] {strides = array<i32>} : memref<2x8x2048xf32, #tpu.memory_space<vmem>>, vector<1x1x16xf32>,
        %parallel_loop3A_381 = vector.shape_cast %parallel_loop3A_380 : vector<1x1x16xf32> to vector<16xf32>
        %parallel_loop3A_382 = vector.shape_cast %parallel_loop3A_374 : vector<16xf32> to vector<1x1x16xf32>
        tpu.vector_store %arg7[%parallel_loop3A_377, %parallel_loop3A_378, %parallel_loop3A_379], %parallel_loop3A_382 {strides = array<i32>} : memref<2x8x2048xf32, #tpu.memory_space<vmem>>, vector<1x1x16xf32>,
        %parallel_loop3A_383 = arith.constant 0 : i32
        %parallel_loop3A_384 = arith.constant 3 : i32
        %parallel_loop3A_385 = arith.index_cast %parallel_loop3A_383 : i32 to index
        %parallel_loop3A_386 = arith.index_cast %parallel_loop3A_384 : i32 to index
        %parallel_loop3A_387 = arith.index_cast %parallel_loop3A_295 : i32 to index
        %parallel_loop3A_388 = tpu.vector_load %arg5[%parallel_loop3A_385, %parallel_loop3A_386, %parallel_loop3A_387] {strides = array<i32>} : memref<2x8x2048xf32, #tpu.memory_space<vmem>>, vector<1x1x16xf32>,
        %parallel_loop3A_389 = vector.shape_cast %parallel_loop3A_388 : vector<1x1x16xf32> to vector<16xf32>
        %parallel_loop3A_390 = arith.constant 0 : i32
        %parallel_loop3A_391 = arith.constant 3 : i32
        %parallel_loop3A_392 = arith.index_cast %parallel_loop3A_390 : i32 to index
        %parallel_loop3A_393 = arith.index_cast %parallel_loop3A_391 : i32 to index
        %parallel_loop3A_394 = arith.index_cast %parallel_loop3A_295 : i32 to index
        %parallel_loop3A_395 = tpu.vector_load %arg6[%parallel_loop3A_392, %parallel_loop3A_393, %parallel_loop3A_394] {strides = array<i32>} : memref<2x8x2048xf32, #tpu.memory_space<vmem>>, vector<1x1x16xf32>,
        %parallel_loop3A_396 = vector.shape_cast %parallel_loop3A_395 : vector<1x1x16xf32> to vector<16xf32>
        %parallel_loop3A_397 = arith.constant 1.000000e+00 : f32
        %parallel_loop3A_398 = vector.broadcast %parallel_loop3A_397 : f32 to vector<16xf32>
        %parallel_loop3A_399 = arith.cmpf oeq, %parallel_loop3A_389, %parallel_loop3A_398 : vector<16xf32>
        %parallel_loop3A_400 = arith.constant 0.000000e+00 : f32
        %parallel_loop3A_401 = vector.broadcast %parallel_loop3A_400 : f32 to vector<16xf32>
        %parallel_loop3A_402 = arith.select %parallel_loop3A_399, %parallel_loop3A_401, %parallel_loop3A_389 : vector<16xi1>, vector<16xf32>
        %parallel_loop3A_403 = arith.addf %parallel_loop3A_402, %parallel_loop3A_396 : vector<16xf32>
        %parallel_loop3A_404 = arith.constant 0 : i32
        %parallel_loop3A_405 = arith.constant 3 : i32
        %parallel_loop3A_406 = arith.index_cast %parallel_loop3A_404 : i32 to index
        %parallel_loop3A_407 = arith.index_cast %parallel_loop3A_405 : i32 to index
        %parallel_loop3A_408 = arith.index_cast %parallel_loop3A_295 : i32 to index
        %parallel_loop3A_409 = tpu.vector_load %arg7[%parallel_loop3A_406, %parallel_loop3A_407, %parallel_loop3A_408] {strides = array<i32>} : memref<2x8x2048xf32, #tpu.memory_space<vmem>>, vector<1x1x16xf32>,
        %parallel_loop3A_410 = vector.shape_cast %parallel_loop3A_409 : vector<1x1x16xf32> to vector<16xf32>
        %parallel_loop3A_411 = vector.shape_cast %parallel_loop3A_403 : vector<16xf32> to vector<1x1x16xf32>
        tpu.vector_store %arg7[%parallel_loop3A_406, %parallel_loop3A_407, %parallel_loop3A_408], %parallel_loop3A_411 {strides = array<i32>} : memref<2x8x2048xf32, #tpu.memory_space<vmem>>, vector<1x1x16xf32>,
        %parallel_loop3A_412 = arith.constant 0 : i32
        %parallel_loop3A_413 = arith.constant 4 : i32
        %parallel_loop3A_414 = arith.index_cast %parallel_loop3A_412 : i32 to index
        %parallel_loop3A_415 = arith.index_cast %parallel_loop3A_413 : i32 to index
        %parallel_loop3A_416 = arith.index_cast %parallel_loop3A_295 : i32 to index
        %parallel_loop3A_417 = tpu.vector_load %arg5[%parallel_loop3A_414, %parallel_loop3A_415, %parallel_loop3A_416] {strides = array<i32>} : memref<2x8x2048xf32, #tpu.memory_space<vmem>>, vector<1x1x16xf32>,
        %parallel_loop3A_418 = vector.shape_cast %parallel_loop3A_417 : vector<1x1x16xf32> to vector<16xf32>
        %parallel_loop3A_419 = arith.constant 0 : i32
        %parallel_loop3A_420 = arith.constant 4 : i32
        %parallel_loop3A_421 = arith.index_cast %parallel_loop3A_419 : i32 to index
        %parallel_loop3A_422 = arith.index_cast %parallel_loop3A_420 : i32 to index
        %parallel_loop3A_423 = arith.index_cast %parallel_loop3A_295 : i32 to index
        %parallel_loop3A_424 = tpu.vector_load %arg6[%parallel_loop3A_421, %parallel_loop3A_422, %parallel_loop3A_423] {strides = array<i32>} : memref<2x8x2048xf32, #tpu.memory_space<vmem>>, vector<1x1x16xf32>,
        %parallel_loop3A_425 = vector.shape_cast %parallel_loop3A_424 : vector<1x1x16xf32> to vector<16xf32>
        %parallel_loop3A_426 = arith.constant 1.000000e+00 : f32
        %parallel_loop3A_427 = vector.broadcast %parallel_loop3A_426 : f32 to vector<16xf32>
        %parallel_loop3A_428 = arith.cmpf oeq, %parallel_loop3A_418, %parallel_loop3A_427 : vector<16xf32>
        %parallel_loop3A_429 = arith.constant 0.000000e+00 : f32
        %parallel_loop3A_430 = vector.broadcast %parallel_loop3A_429 : f32 to vector<16xf32>
        %parallel_loop3A_431 = arith.select %parallel_loop3A_428, %parallel_loop3A_430, %parallel_loop3A_418 : vector<16xi1>, vector<16xf32>
        %parallel_loop3A_432 = arith.addf %parallel_loop3A_431, %parallel_loop3A_425 : vector<16xf32>
        %parallel_loop3A_433 = arith.constant 0 : i32
        %parallel_loop3A_434 = arith.constant 4 : i32
        %parallel_loop3A_435 = arith.index_cast %parallel_loop3A_433 : i32 to index
        %parallel_loop3A_436 = arith.index_cast %parallel_loop3A_434 : i32 to index
        %parallel_loop3A_437 = arith.index_cast %parallel_loop3A_295 : i32 to index
        %parallel_loop3A_438 = tpu.vector_load %arg7[%parallel_loop3A_435, %parallel_loop3A_436, %parallel_loop3A_437] {strides = array<i32>} : memref<2x8x2048xf32, #tpu.memory_space<vmem>>, vector<1x1x16xf32>,
        %parallel_loop3A_439 = vector.shape_cast %parallel_loop3A_438 : vector<1x1x16xf32> to vector<16xf32>
        %parallel_loop3A_440 = vector.shape_cast %parallel_loop3A_432 : vector<16xf32> to vector<1x1x16xf32>
        tpu.vector_store %arg7[%parallel_loop3A_435, %parallel_loop3A_436, %parallel_loop3A_437], %parallel_loop3A_440 {strides = array<i32>} : memref<2x8x2048xf32, #tpu.memory_space<vmem>>, vector<1x1x16xf32>,
        %parallel_loop3A_441 = arith.constant 0 : i32
        %parallel_loop3A_442 = arith.constant 5 : i32
        %parallel_loop3A_443 = arith.index_cast %parallel_loop3A_441 : i32 to index
        %parallel_loop3A_444 = arith.index_cast %parallel_loop3A_442 : i32 to index
        %parallel_loop3A_445 = arith.index_cast %parallel_loop3A_295 : i32 to index
        %parallel_loop3A_446 = tpu.vector_load %arg5[%parallel_loop3A_443, %parallel_loop3A_444, %parallel_loop3A_445] {strides = array<i32>} : memref<2x8x2048xf32, #tpu.memory_space<vmem>>, vector<1x1x16xf32>,
        %parallel_loop3A_447 = vector.shape_cast %parallel_loop3A_446 : vector<1x1x16xf32> to vector<16xf32>
        %parallel_loop3A_448 = arith.constant 0 : i32
        %parallel_loop3A_449 = arith.constant 5 : i32
        %parallel_loop3A_450 = arith.index_cast %parallel_loop3A_448 : i32 to index
        %parallel_loop3A_451 = arith.index_cast %parallel_loop3A_449 : i32 to index
        %parallel_loop3A_452 = arith.index_cast %parallel_loop3A_295 : i32 to index
        %parallel_loop3A_453 = tpu.vector_load %arg6[%parallel_loop3A_450, %parallel_loop3A_451, %parallel_loop3A_452] {strides = array<i32>} : memref<2x8x2048xf32, #tpu.memory_space<vmem>>, vector<1x1x16xf32>,
        %parallel_loop3A_454 = vector.shape_cast %parallel_loop3A_453 : vector<1x1x16xf32> to vector<16xf32>
        %parallel_loop3A_455 = arith.constant 1.000000e+00 : f32
        %parallel_loop3A_456 = vector.broadcast %parallel_loop3A_455 : f32 to vector<16xf32>
        %parallel_loop3A_457 = arith.cmpf oeq, %parallel_loop3A_447, %parallel_loop3A_456 : vector<16xf32>
        %parallel_loop3A_458 = arith.constant 0.000000e+00 : f32
        %parallel_loop3A_459 = vector.broadcast %parallel_loop3A_458 : f32 to vector<16xf32>
        %parallel_loop3A_460 = arith.select %parallel_loop3A_457, %parallel_loop3A_459, %parallel_loop3A_447 : vector<16xi1>, vector<16xf32>
        %parallel_loop3A_461 = arith.addf %parallel_loop3A_460, %parallel_loop3A_454 : vector<16xf32>
        %parallel_loop3A_462 = arith.constant 0 : i32
        %parallel_loop3A_463 = arith.constant 5 : i32
        %parallel_loop3A_464 = arith.index_cast %parallel_loop3A_462 : i32 to index
        %parallel_loop3A_465 = arith.index_cast %parallel_loop3A_463 : i32 to index
        %parallel_loop3A_466 = arith.index_cast %parallel_loop3A_295 : i32 to index
        %parallel_loop3A_467 = tpu.vector_load %arg7[%parallel_loop3A_464, %parallel_loop3A_465, %parallel_loop3A_466] {strides = array<i32>} : memref<2x8x2048xf32, #tpu.memory_space<vmem>>, vector<1x1x16xf32>,
        %parallel_loop3A_468 = vector.shape_cast %parallel_loop3A_467 : vector<1x1x16xf32> to vector<16xf32>
        %parallel_loop3A_469 = vector.shape_cast %parallel_loop3A_461 : vector<16xf32> to vector<1x1x16xf32>
        tpu.vector_store %arg7[%parallel_loop3A_464, %parallel_loop3A_465, %parallel_loop3A_466], %parallel_loop3A_469 {strides = array<i32>} : memref<2x8x2048xf32, #tpu.memory_space<vmem>>, vector<1x1x16xf32>,
        %parallel_loop3A_470 = arith.constant 0 : i32
        %parallel_loop3A_471 = arith.constant 6 : i32
        %parallel_loop3A_472 = arith.index_cast %parallel_loop3A_470 : i32 to index
        %parallel_loop3A_473 = arith.index_cast %parallel_loop3A_471 : i32 to index
        %parallel_loop3A_474 = arith.index_cast %parallel_loop3A_295 : i32 to index
        %parallel_loop3A_475 = tpu.vector_load %arg5[%parallel_loop3A_472, %parallel_loop3A_473, %parallel_loop3A_474] {strides = array<i32>} : memref<2x8x2048xf32, #tpu.memory_space<vmem>>, vector<1x1x16xf32>,
        %parallel_loop3A_476 = vector.shape_cast %parallel_loop3A_475 : vector<1x1x16xf32> to vector<16xf32>
        %parallel_loop3A_477 = arith.constant 0 : i32
        %parallel_loop3A_478 = arith.constant 6 : i32
        %parallel_loop3A_479 = arith.index_cast %parallel_loop3A_477 : i32 to index
        %parallel_loop3A_480 = arith.index_cast %parallel_loop3A_478 : i32 to index
        %parallel_loop3A_481 = arith.index_cast %parallel_loop3A_295 : i32 to index
        %parallel_loop3A_482 = tpu.vector_load %arg6[%parallel_loop3A_479, %parallel_loop3A_480, %parallel_loop3A_481] {strides = array<i32>} : memref<2x8x2048xf32, #tpu.memory_space<vmem>>, vector<1x1x16xf32>,
        %parallel_loop3A_483 = vector.shape_cast %parallel_loop3A_482 : vector<1x1x16xf32> to vector<16xf32>
        %parallel_loop3A_484 = arith.constant 1.000000e+00 : f32
        %parallel_loop3A_485 = vector.broadcast %parallel_loop3A_484 : f32 to vector<16xf32>
        %parallel_loop3A_486 = arith.cmpf oeq, %parallel_loop3A_476, %parallel_loop3A_485 : vector<16xf32>
        %parallel_loop3A_487 = arith.constant 0.000000e+00 : f32
        %parallel_loop3A_488 = vector.broadcast %parallel_loop3A_487 : f32 to vector<16xf32>
        %parallel_loop3A_489 = arith.select %parallel_loop3A_486, %parallel_loop3A_488, %parallel_loop3A_476 : vector<16xi1>, vector<16xf32>
        %parallel_loop3A_490 = arith.addf %parallel_loop3A_489, %parallel_loop3A_483 : vector<16xf32>
        %parallel_loop3A_491 = arith.constant 0 : i32
        %parallel_loop3A_492 = arith.constant 6 : i32
        %parallel_loop3A_493 = arith.index_cast %parallel_loop3A_491 : i32 to index
        %parallel_loop3A_494 = arith.index_cast %parallel_loop3A_492 : i32 to index
        %parallel_loop3A_495 = arith.index_cast %parallel_loop3A_295 : i32 to index
        %parallel_loop3A_496 = tpu.vector_load %arg7[%parallel_loop3A_493, %parallel_loop3A_494, %parallel_loop3A_495] {strides = array<i32>} : memref<2x8x2048xf32, #tpu.memory_space<vmem>>, vector<1x1x16xf32>,
        %parallel_loop3A_497 = vector.shape_cast %parallel_loop3A_496 : vector<1x1x16xf32> to vector<16xf32>
        %parallel_loop3A_498 = vector.shape_cast %parallel_loop3A_490 : vector<16xf32> to vector<1x1x16xf32>
        tpu.vector_store %arg7[%parallel_loop3A_493, %parallel_loop3A_494, %parallel_loop3A_495], %parallel_loop3A_498 {strides = array<i32>} : memref<2x8x2048xf32, #tpu.memory_space<vmem>>, vector<1x1x16xf32>,
        %parallel_loop3A_499 = arith.constant 0 : i32
        %parallel_loop3A_500 = arith.constant 7 : i32
        %parallel_loop3A_501 = arith.index_cast %parallel_loop3A_499 : i32 to index
        %parallel_loop3A_502 = arith.index_cast %parallel_loop3A_500 : i32 to index
        %parallel_loop3A_503 = arith.index_cast %parallel_loop3A_295 : i32 to index
        %parallel_loop3A_504 = tpu.vector_load %arg5[%parallel_loop3A_501, %parallel_loop3A_502, %parallel_loop3A_503] {strides = array<i32>} : memref<2x8x2048xf32, #tpu.memory_space<vmem>>, vector<1x1x16xf32>,
        %parallel_loop3A_505 = vector.shape_cast %parallel_loop3A_504 : vector<1x1x16xf32> to vector<16xf32>
        %parallel_loop3A_506 = arith.constant 0 : i32
        %parallel_loop3A_507 = arith.constant 7 : i32
        %parallel_loop3A_508 = arith.index_cast %parallel_loop3A_506 : i32 to index
        %parallel_loop3A_509 = arith.index_cast %parallel_loop3A_507 : i32 to index
        %parallel_loop3A_510 = arith.index_cast %parallel_loop3A_295 : i32 to index
        %parallel_loop3A_511 = tpu.vector_load %arg6[%parallel_loop3A_508, %parallel_loop3A_509, %parallel_loop3A_510] {strides = array<i32>} : memref<2x8x2048xf32, #tpu.memory_space<vmem>>, vector<1x1x16xf32>,
        %parallel_loop3A_512 = vector.shape_cast %parallel_loop3A_511 : vector<1x1x16xf32> to vector<16xf32>
        %parallel_loop3A_513 = arith.constant 1.000000e+00 : f32
        %parallel_loop3A_514 = vector.broadcast %parallel_loop3A_513 : f32 to vector<16xf32>
        %parallel_loop3A_515 = arith.cmpf oeq, %parallel_loop3A_505, %parallel_loop3A_514 : vector<16xf32>
        %parallel_loop3A_516 = arith.constant 0.000000e+00 : f32
        %parallel_loop3A_517 = vector.broadcast %parallel_loop3A_516 : f32 to vector<16xf32>
        %parallel_loop3A_518 = arith.select %parallel_loop3A_515, %parallel_loop3A_517, %parallel_loop3A_505 : vector<16xi1>, vector<16xf32>
        %parallel_loop3A_519 = arith.addf %parallel_loop3A_518, %parallel_loop3A_512 : vector<16xf32>
        %parallel_loop3A_520 = arith.constant 0 : i32
        %parallel_loop3A_521 = arith.constant 7 : i32
        %parallel_loop3A_522 = arith.index_cast %parallel_loop3A_520 : i32 to index
        %parallel_loop3A_523 = arith.index_cast %parallel_loop3A_521 : i32 to index
        %parallel_loop3A_524 = arith.index_cast %parallel_loop3A_295 : i32 to index
        %parallel_loop3A_525 = tpu.vector_load %arg7[%parallel_loop3A_522, %parallel_loop3A_523, %parallel_loop3A_524] {strides = array<i32>} : memref<2x8x2048xf32, #tpu.memory_space<vmem>>, vector<1x1x16xf32>,
        %parallel_loop3A_526 = vector.shape_cast %parallel_loop3A_525 : vector<1x1x16xf32> to vector<16xf32>
        %parallel_loop3A_527 = vector.shape_cast %parallel_loop3A_519 : vector<16xf32> to vector<1x1x16xf32>
        tpu.vector_store %arg7[%parallel_loop3A_522, %parallel_loop3A_523, %parallel_loop3A_524], %parallel_loop3A_527 {strides = array<i32>} : memref<2x8x2048xf32, #tpu.memory_space<vmem>>, vector<1x1x16xf32>,
      } {sc.loop_unroll_factor = 4 : i64, sc.parallel_access}
      %mul3A_191 = arith.constant 2048 : i32
      %mul3A_192 = arith.muli %add3A_150, %mul3A_191 : i32
      %add3A_193 = arith.addi %multiple_of3A, %mul3A_192 : i32
      %multiple_of3A_194 = tpu.assume_multiple %add3A_193, 2048 : i32
      %mul3A_195 = arith.constant 8 : i32
      %mul3A_196 = arith.muli %select_n3A, %mul3A_195 : i32
      %dma_start3A_197 = arith.constant 0 : i32
      %dma_start3A_198 = arith.constant 0 : i32
      %dma_start3A_199 = arith.constant 0 : i32
      %dma_start3A_200 = arith.constant 0 : i32
      %dma_start3A_201 = tpu.memref_slice %arg7[%dma_start3A_197, %dma_start3A_199, %dma_start3A_200] : memref<2x8x2048xf32, #tpu.memory_space<vmem>> -> memref<1x8x2048xf32, #tpu.memory_space<vmem>>
      %dma_start3A_202 = tpu.memref_squeeze %dma_start3A_201 : memref<1x8x2048xf32, #tpu.memory_space<vmem>> -> memref<8x2048xf32, #tpu.memory_space<vmem>>
      %dma_start3A_203 = tpu.memref_slice %arg4[%mul3A_196, %multiple_of3A_194] : memref<16x262144xf32, #tpu.memory_space<hbm>> -> memref<8x2048xf32, #tpu.memory_space<hbm>>
      %dma_start3A_204 = tpu.memref_slice %arg10[%dma_start3A_198] : memref<2x!tpu.dma_semaphore, #tpu.memory_space<semaphore_mem>> -> memref<1x!tpu.dma_semaphore, #tpu.memory_space<semaphore_mem>>
      %dma_start3A_205 = tpu.memref_squeeze %dma_start3A_204 : memref<1x!tpu.dma_semaphore, #tpu.memory_space<semaphore_mem>> -> memref<!tpu.dma_semaphore, #tpu.memory_space<semaphore_mem>>
      %dma_start3A_206 = tpu.memref_slice %arg4[%mul3A_196, %multiple_of3A_194] : memref<16x262144xf32, #tpu.memory_space<hbm>> -> memref<8x2048xf32, #tpu.memory_space<hbm>>
      %dma_start3A_207 = arith.constant 0 : i32
      %dma_start3A_208 = arith.constant 0 : i32
      %dma_start3A_209 = tpu.memref_slice %arg7[%dma_start3A_197, %dma_start3A_207, %dma_start3A_208] : memref<2x8x2048xf32, #tpu.memory_space<vmem>> -> memref<1x8x2048xf32, #tpu.memory_space<vmem>>
      %dma_start3A_210 = tpu.memref_squeeze %dma_start3A_209 : memref<1x8x2048xf32, #tpu.memory_space<vmem>> -> memref<8x2048xf32, #tpu.memory_space<vmem>>
      tpu.enqueue_dma source(%dma_start3A_210 : memref<8x2048xf32, #tpu.memory_space<vmem>>) target(%dma_start3A_206 : memref<8x2048xf32, #tpu.memory_space<hbm>>) target_semaphore(%dma_start3A_205 : memref<!tpu.dma_semaphore, #tpu.memory_space<semaphore_mem>>)
      %add3A_211 = arith.constant 2 : i32
      %add3A_212 = arith.addi %add3A_150, %add3A_211 : i32
      %lt3A_213 = arith.constant 8 : i32
      %lt3A_214 = arith.cmpi slt, %add3A_212, %lt3A_213 : i32
      %convert_element_type3A_215 = arith.extui %lt3A_214 : i1 to i32
      %cond3A_216 = arith.constant 0 : i32
      %cond3A_217 = arith.cmpi ne, %convert_element_type3A_215, %cond3A_216 : i32
      scf.if %cond3A_217 {
        %add3A_293 = arith.constant 2 : i32
        %add3A_294 = arith.addi %add3A_150, %add3A_293 : i32
        %mul3A_295 = arith.constant 2048 : i32
        %mul3A_296 = arith.muli %add3A_294, %mul3A_295 : i32
        %add3A_297 = arith.addi %multiple_of3A, %mul3A_296 : i32
        %multiple_of3A_298 = tpu.assume_multiple %add3A_297, 2048 : i32
        %mul3A_299 = arith.constant 8 : i32
        %mul3A_300 = arith.muli %select_n3A, %mul3A_299 : i32
        %add3A_301 = arith.constant 1835008 : i32
        %add3A_302 = arith.addi %add3A_301, %multiple_of3A_298 : i32
        %dma_start3A_303 = arith.constant 0 : i32
        %dma_start3A_304 = arith.constant 0 : i32
        %dma_start3A_305 = arith.constant 0 : i32
        %dma_start3A_306 = arith.constant 0 : i32
        %dma_start3A_307 = tpu.memref_slice %arg5[%dma_start3A_303, %dma_start3A_305, %dma_start3A_306] : memref<2x8x2048xf32, #tpu.memory_space<vmem>> -> memref<1x8x2048xf32, #tpu.memory_space<vmem>>
        %dma_start3A_308 = tpu.memref_squeeze %dma_start3A_307 : memref<1x8x2048xf32, #tpu.memory_space<vmem>> -> memref<8x2048xf32, #tpu.memory_space<vmem>>
        %dma_start3A_309 = tpu.memref_slice %arg2[%mul3A_300, %add3A_302] : memref<16x2097152xf32, #tpu.memory_space<hbm>> -> memref<8x2048xf32, #tpu.memory_space<hbm>>
        %dma_start3A_310 = tpu.memref_slice %arg8[%dma_start3A_304] : memref<2x!tpu.dma_semaphore, #tpu.memory_space<semaphore_mem>> -> memref<1x!tpu.dma_semaphore, #tpu.memory_space<semaphore_mem>>
        %dma_start3A_311 = tpu.memref_squeeze %dma_start3A_310 : memref<1x!tpu.dma_semaphore, #tpu.memory_space<semaphore_mem>> -> memref<!tpu.dma_semaphore, #tpu.memory_space<semaphore_mem>>
        %dma_start3A_312 = arith.constant 0 : i32
        %dma_start3A_313 = arith.constant 0 : i32
        %dma_start3A_314 = tpu.memref_slice %arg5[%dma_start3A_303, %dma_start3A_312, %dma_start3A_313] : memref<2x8x2048xf32, #tpu.memory_space<vmem>> -> memref<1x8x2048xf32, #tpu.memory_space<vmem>>
        %dma_start3A_315 = tpu.memref_squeeze %dma_start3A_314 : memref<1x8x2048xf32, #tpu.memory_space<vmem>> -> memref<8x2048xf32, #tpu.memory_space<vmem>>
        %dma_start3A_316 = tpu.memref_slice %arg2[%mul3A_300, %add3A_302] : memref<16x2097152xf32, #tpu.memory_space<hbm>> -> memref<8x2048xf32, #tpu.memory_space<hbm>>
        tpu.enqueue_dma source(%dma_start3A_316 : memref<8x2048xf32, #tpu.memory_space<hbm>>) target(%dma_start3A_315 : memref<8x2048xf32, #tpu.memory_space<vmem>>) target_semaphore(%dma_start3A_311 : memref<!tpu.dma_semaphore, #tpu.memory_space<semaphore_mem>>)
        %mul3A_317 = arith.constant 8 : i32
        %mul3A_318 = arith.muli %select_n3A, %mul3A_317 : i32
        %add3A_319 = arith.constant 1835008 : i32
        %add3A_320 = arith.addi %add3A_319, %multiple_of3A_298 : i32
        %dma_start3A_321 = arith.constant 0 : i32
        %dma_start3A_322 = arith.constant 0 : i32
        %dma_start3A_323 = arith.constant 0 : i32
        %dma_start3A_324 = arith.constant 0 : i32
        %dma_start3A_325 = tpu.memref_slice %arg6[%dma_start3A_321, %dma_start3A_323, %dma_start3A_324] : memref<2x8x2048xf32, #tpu.memory_space<vmem>> -> memref<1x8x2048xf32, #tpu.memory_space<vmem>>
        %dma_start3A_326 = tpu.memref_squeeze %dma_start3A_325 : memref<1x8x2048xf32, #tpu.memory_space<vmem>> -> memref<8x2048xf32, #tpu.memory_space<vmem>>
        %dma_start3A_327 = tpu.memref_slice %arg3[%mul3A_318, %add3A_320] : memref<16x2097152xf32, #tpu.memory_space<hbm>> -> memref<8x2048xf32, #tpu.memory_space<hbm>>
        %dma_start3A_328 = tpu.memref_slice %arg9[%dma_start3A_322] : memref<2x!tpu.dma_semaphore, #tpu.memory_space<semaphore_mem>> -> memref<1x!tpu.dma_semaphore, #tpu.memory_space<semaphore_mem>>
        %dma_start3A_329 = tpu.memref_squeeze %dma_start3A_328 : memref<1x!tpu.dma_semaphore, #tpu.memory_space<semaphore_mem>> -> memref<!tpu.dma_semaphore, #tpu.memory_space<semaphore_mem>>
        %dma_start3A_330 = arith.constant 0 : i32
        %dma_start3A_331 = arith.constant 0 : i32
        %dma_start3A_332 = tpu.memref_slice %arg6[%dma_start3A_321, %dma_start3A_330, %dma_start3A_331] : memref<2x8x2048xf32, #tpu.memory_space<vmem>> -> memref<1x8x2048xf32, #tpu.memory_space<vmem>>
        %dma_start3A_333 = tpu.memref_squeeze %dma_start3A_332 : memref<1x8x2048xf32, #tpu.memory_space<vmem>> -> memref<8x2048xf32, #tpu.memory_space<vmem>>
        %dma_start3A_334 = tpu.memref_slice %arg3[%mul3A_318, %add3A_320] : memref<16x2097152xf32, #tpu.memory_space<hbm>> -> memref<8x2048xf32, #tpu.memory_space<hbm>>
        tpu.enqueue_dma source(%dma_start3A_334 : memref<8x2048xf32, #tpu.memory_space<hbm>>) target(%dma_start3A_333 : memref<8x2048xf32, #tpu.memory_space<vmem>>) target_semaphore(%dma_start3A_329 : memref<!tpu.dma_semaphore, #tpu.memory_space<semaphore_mem>>)
      } else {
      }
      %mul3A_218 = arith.constant 2 : i32
      %mul3A_219 = arith.muli %scan3A_146, %mul3A_218 : i32
      %add3A_220 = arith.constant 1 : i32
      %add3A_221 = arith.addi %mul3A_219, %add3A_220 : i32
      %mul3A_222 = arith.constant 8 : i32
      %mul3A_223 = arith.muli %select_n3A, %mul3A_222 : i32
      %add3A_224 = arith.constant 1835008 : i32
      %add3A_225 = arith.addi %add3A_224, %multiple_of3A : i32
      %dma_wait3A_226 = arith.constant 1 : i32
      %dma_wait3A_227 = arith.constant 1 : i32
      %dma_wait3A_228 = arith.constant 0 : i32
      %dma_wait3A_229 = arith.constant 0 : i32
      %dma_wait3A_230 = tpu.memref_slice %arg5[%dma_wait3A_226, %dma_wait3A_228, %dma_wait3A_229] : memref<2x8x2048xf32, #tpu.memory_space<vmem>> -> memref<1x8x2048xf32, #tpu.memory_space<vmem>>
      %dma_wait3A_231 = tpu.memref_squeeze %dma_wait3A_230 : memref<1x8x2048xf32, #tpu.memory_space<vmem>> -> memref<8x2048xf32, #tpu.memory_space<vmem>>
      %dma_wait3A_232 = tpu.memref_slice %arg2[%mul3A_223, %add3A_225] : memref<16x2097152xf32, #tpu.memory_space<hbm>> -> memref<8x2048xf32, #tpu.memory_space<hbm>>
      %dma_wait3A_233 = tpu.memref_slice %arg8[%dma_wait3A_227] : memref<2x!tpu.dma_semaphore, #tpu.memory_space<semaphore_mem>> -> memref<1x!tpu.dma_semaphore, #tpu.memory_space<semaphore_mem>>
      %dma_wait3A_234 = tpu.memref_squeeze %dma_wait3A_233 : memref<1x!tpu.dma_semaphore, #tpu.memory_space<semaphore_mem>> -> memref<!tpu.dma_semaphore, #tpu.memory_space<semaphore_mem>>
      %dma_wait3A_235 = arith.constant 0 : i32
      %dma_wait3A_236 = arith.constant 0 : i32
      %dma_wait3A_237 = tpu.memref_slice %arg5[%dma_wait3A_226, %dma_wait3A_235, %dma_wait3A_236] : memref<2x8x2048xf32, #tpu.memory_space<vmem>> -> memref<1x8x2048xf32, #tpu.memory_space<vmem>>
      %dma_wait3A_238 = tpu.memref_squeeze %dma_wait3A_237 : memref<1x8x2048xf32, #tpu.memory_space<vmem>> -> memref<8x2048xf32, #tpu.memory_space<vmem>>
      %dma_wait3A_239 = tpu.memref_slice %arg2[%mul3A_223, %add3A_225] : memref<16x2097152xf32, #tpu.memory_space<hbm>> -> memref<8x2048xf32, #tpu.memory_space<hbm>>
      tpu.wait_dma2 semaphore(%dma_wait3A_234 : memref<!tpu.dma_semaphore, #tpu.memory_space<semaphore_mem>>) src(%dma_wait3A_239 : memref<8x2048xf32, #tpu.memory_space<hbm>>) dst(%dma_wait3A_238 : memref<8x2048xf32, #tpu.memory_space<vmem>>)
      %mul3A_240 = arith.constant 8 : i32
      %mul3A_241 = arith.muli %select_n3A, %mul3A_240 : i32
      %add3A_242 = arith.constant 1835008 : i32
      %add3A_243 = arith.addi %add3A_242, %multiple_of3A : i32
      %dma_wait3A_244 = arith.constant 1 : i32
      %dma_wait3A_245 = arith.constant 1 : i32
      %dma_wait3A_246 = arith.constant 0 : i32
      %dma_wait3A_247 = arith.constant 0 : i32
      %dma_wait3A_248 = tpu.memref_slice %arg6[%dma_wait3A_244, %dma_wait3A_246, %dma_wait3A_247] : memref<2x8x2048xf32, #tpu.memory_space<vmem>> -> memref<1x8x2048xf32, #tpu.memory_space<vmem>>
      %dma_wait3A_249 = tpu.memref_squeeze %dma_wait3A_248 : memref<1x8x2048xf32, #tpu.memory_space<vmem>> -> memref<8x2048xf32, #tpu.memory_space<vmem>>
      %dma_wait3A_250 = tpu.memref_slice %arg3[%mul3A_241, %add3A_243] : memref<16x2097152xf32, #tpu.memory_space<hbm>> -> memref<8x2048xf32, #tpu.memory_space<hbm>>
      %dma_wait3A_251 = tpu.memref_slice %arg9[%dma_wait3A_245] : memref<2x!tpu.dma_semaphore, #tpu.memory_space<semaphore_mem>> -> memref<1x!tpu.dma_semaphore, #tpu.memory_space<semaphore_mem>>
      %dma_wait3A_252 = tpu.memref_squeeze %dma_wait3A_251 : memref<1x!tpu.dma_semaphore, #tpu.memory_space<semaphore_mem>> -> memref<!tpu.dma_semaphore, #tpu.memory_space<semaphore_mem>>
      %dma_wait3A_253 = arith.constant 0 : i32
      %dma_wait3A_254 = arith.constant 0 : i32
      %dma_wait3A_255 = tpu.memref_slice %arg6[%dma_wait3A_244, %dma_wait3A_253, %dma_wait3A_254] : memref<2x8x2048xf32, #tpu.memory_space<vmem>> -> memref<1x8x2048xf32, #tpu.memory_space<vmem>>
      %dma_wait3A_256 = tpu.memref_squeeze %dma_wait3A_255 : memref<1x8x2048xf32, #tpu.memory_space<vmem>> -> memref<8x2048xf32, #tpu.memory_space<vmem>>
      %dma_wait3A_257 = tpu.memref_slice %arg3[%mul3A_241, %add3A_243] : memref<16x2097152xf32, #tpu.memory_space<hbm>> -> memref<8x2048xf32, #tpu.memory_space<hbm>>
      tpu.wait_dma2 semaphore(%dma_wait3A_252 : memref<!tpu.dma_semaphore, #tpu.memory_space<semaphore_mem>>) src(%dma_wait3A_257 : memref<8x2048xf32, #tpu.memory_space<hbm>>) dst(%dma_wait3A_256 : memref<8x2048xf32, #tpu.memory_space<vmem>>)
      %ge3A_258 = arith.constant 2 : i32
      %ge3A_259 = arith.cmpi sge, %add3A_221, %ge3A_258 : i32
      %convert_element_type3A_260 = arith.extui %ge3A_259 : i1 to i32
      %cond3A_261 = arith.constant 0 : i32
      %cond3A_262 = arith.cmpi ne, %convert_element_type3A_260, %cond3A_261 : i32
      scf.if %cond3A_262 {
        %mul3A_293 = arith.constant 8 : i32
        %mul3A_294 = arith.muli %select_n3A, %mul3A_293 : i32
        %dma_wait3A_295 = arith.constant 1 : i32
        %dma_wait3A_296 = arith.constant 1 : i32
        %dma_wait3A_297 = arith.constant 0 : i32
        %dma_wait3A_298 = arith.constant 0 : i32
        %dma_wait3A_299 = tpu.memref_slice %arg7[%dma_wait3A_295, %dma_wait3A_297, %dma_wait3A_298] : memref<2x8x2048xf32, #tpu.memory_space<vmem>> -> memref<1x8x2048xf32, #tpu.memory_space<vmem>>
        %dma_wait3A_300 = tpu.memref_squeeze %dma_wait3A_299 : memref<1x8x2048xf32, #tpu.memory_space<vmem>> -> memref<8x2048xf32, #tpu.memory_space<vmem>>
        %dma_wait3A_301 = tpu.memref_slice %arg4[%mul3A_294, %multiple_of3A] : memref<16x262144xf32, #tpu.memory_space<hbm>> -> memref<8x2048xf32, #tpu.memory_space<hbm>>
        %dma_wait3A_302 = tpu.memref_slice %arg10[%dma_wait3A_296] : memref<2x!tpu.dma_semaphore, #tpu.memory_space<semaphore_mem>> -> memref<1x!tpu.dma_semaphore, #tpu.memory_space<semaphore_mem>>
        %dma_wait3A_303 = tpu.memref_squeeze %dma_wait3A_302 : memref<1x!tpu.dma_semaphore, #tpu.memory_space<semaphore_mem>> -> memref<!tpu.dma_semaphore, #tpu.memory_space<semaphore_mem>>
        %dma_wait3A_304 = tpu.memref_slice %arg4[%mul3A_294, %multiple_of3A] : memref<16x262144xf32, #tpu.memory_space<hbm>> -> memref<8x2048xf32, #tpu.memory_space<hbm>>
        %dma_wait3A_305 = arith.constant 0 : i32
        %dma_wait3A_306 = arith.constant 0 : i32
        %dma_wait3A_307 = tpu.memref_slice %arg7[%dma_wait3A_295, %dma_wait3A_305, %dma_wait3A_306] : memref<2x8x2048xf32, #tpu.memory_space<vmem>> -> memref<1x8x2048xf32, #tpu.memory_space<vmem>>
        %dma_wait3A_308 = tpu.memref_squeeze %dma_wait3A_307 : memref<1x8x2048xf32, #tpu.memory_space<vmem>> -> memref<8x2048xf32, #tpu.memory_space<vmem>>
        tpu.wait_dma2 semaphore(%dma_wait3A_303 : memref<!tpu.dma_semaphore, #tpu.memory_space<semaphore_mem>>) src(%dma_wait3A_308 : memref<8x2048xf32, #tpu.memory_space<vmem>>) dst(%dma_wait3A_304 : memref<8x2048xf32, #tpu.memory_space<hbm>>)
      } else {
      }
      %parallel_loop3A_263 = arith.constant 0 : i32
      %parallel_loop3A_264 = arith.constant 128 : i32
      %parallel_loop3A_265 = arith.constant 1 : i32
      scf.for %parallel_loop3A_293 = %parallel_loop3A_263 to %parallel_loop3A_264 step %parallel_loop3A_265  : i32 {
        %parallel_loop3A_294 = arith.constant 16 : i32
        %parallel_loop3A_295 = arith.muli %parallel_loop3A_293, %parallel_loop3A_294 : i32
        %parallel_loop3A_296 = arith.constant 1 : i32
        %parallel_loop3A_297 = arith.constant 0 : i32
        %parallel_loop3A_298 = arith.index_cast %parallel_loop3A_296 : i32 to index
        %parallel_loop3A_299 = arith.index_cast %parallel_loop3A_297 : i32 to index
        %parallel_loop3A_300 = arith.index_cast %parallel_loop3A_295 : i32 to index
        %parallel_loop3A_301 = tpu.vector_load %arg5[%parallel_loop3A_298, %parallel_loop3A_299, %parallel_loop3A_300] {strides = array<i32>} : memref<2x8x2048xf32, #tpu.memory_space<vmem>>, vector<1x1x16xf32>,
        %parallel_loop3A_302 = vector.shape_cast %parallel_loop3A_301 : vector<1x1x16xf32> to vector<16xf32>
        %parallel_loop3A_303 = arith.constant 1 : i32
        %parallel_loop3A_304 = arith.constant 0 : i32
        %parallel_loop3A_305 = arith.index_cast %parallel_loop3A_303 : i32 to index
        %parallel_loop3A_306 = arith.index_cast %parallel_loop3A_304 : i32 to index
        %parallel_loop3A_307 = arith.index_cast %parallel_loop3A_295 : i32 to index
        %parallel_loop3A_308 = tpu.vector_load %arg6[%parallel_loop3A_305, %parallel_loop3A_306, %parallel_loop3A_307] {strides = array<i32>} : memref<2x8x2048xf32, #tpu.memory_space<vmem>>, vector<1x1x16xf32>,
        %parallel_loop3A_309 = vector.shape_cast %parallel_loop3A_308 : vector<1x1x16xf32> to vector<16xf32>
        %parallel_loop3A_310 = arith.constant 1.000000e+00 : f32
        %parallel_loop3A_311 = vector.broadcast %parallel_loop3A_310 : f32 to vector<16xf32>
        %parallel_loop3A_312 = arith.cmpf oeq, %parallel_loop3A_302, %parallel_loop3A_311 : vector<16xf32>
        %parallel_loop3A_313 = arith.constant 0.000000e+00 : f32
        %parallel_loop3A_314 = vector.broadcast %parallel_loop3A_313 : f32 to vector<16xf32>
        %parallel_loop3A_315 = arith.select %parallel_loop3A_312, %parallel_loop3A_314, %parallel_loop3A_302 : vector<16xi1>, vector<16xf32>
        %parallel_loop3A_316 = arith.addf %parallel_loop3A_315, %parallel_loop3A_309 : vector<16xf32>
        %parallel_loop3A_317 = arith.constant 1 : i32
        %parallel_loop3A_318 = arith.constant 0 : i32
        %parallel_loop3A_319 = arith.index_cast %parallel_loop3A_317 : i32 to index
        %parallel_loop3A_320 = arith.index_cast %parallel_loop3A_318 : i32 to index
        %parallel_loop3A_321 = arith.index_cast %parallel_loop3A_295 : i32 to index
        %parallel_loop3A_322 = tpu.vector_load %arg7[%parallel_loop3A_319, %parallel_loop3A_320, %parallel_loop3A_321] {strides = array<i32>} : memref<2x8x2048xf32, #tpu.memory_space<vmem>>, vector<1x1x16xf32>,
        %parallel_loop3A_323 = vector.shape_cast %parallel_loop3A_322 : vector<1x1x16xf32> to vector<16xf32>
        %parallel_loop3A_324 = vector.shape_cast %parallel_loop3A_316 : vector<16xf32> to vector<1x1x16xf32>
        tpu.vector_store %arg7[%parallel_loop3A_319, %parallel_loop3A_320, %parallel_loop3A_321], %parallel_loop3A_324 {strides = array<i32>} : memref<2x8x2048xf32, #tpu.memory_space<vmem>>, vector<1x1x16xf32>,
        %parallel_loop3A_325 = arith.constant 1 : i32
        %parallel_loop3A_326 = arith.constant 1 : i32
        %parallel_loop3A_327 = arith.index_cast %parallel_loop3A_325 : i32 to index
        %parallel_loop3A_328 = arith.index_cast %parallel_loop3A_326 : i32 to index
        %parallel_loop3A_329 = arith.index_cast %parallel_loop3A_295 : i32 to index
        %parallel_loop3A_330 = tpu.vector_load %arg5[%parallel_loop3A_327, %parallel_loop3A_328, %parallel_loop3A_329] {strides = array<i32>} : memref<2x8x2048xf32, #tpu.memory_space<vmem>>, vector<1x1x16xf32>,
        %parallel_loop3A_331 = vector.shape_cast %parallel_loop3A_330 : vector<1x1x16xf32> to vector<16xf32>
        %parallel_loop3A_332 = arith.constant 1 : i32
        %parallel_loop3A_333 = arith.constant 1 : i32
        %parallel_loop3A_334 = arith.index_cast %parallel_loop3A_332 : i32 to index
        %parallel_loop3A_335 = arith.index_cast %parallel_loop3A_333 : i32 to index
        %parallel_loop3A_336 = arith.index_cast %parallel_loop3A_295 : i32 to index
        %parallel_loop3A_337 = tpu.vector_load %arg6[%parallel_loop3A_334, %parallel_loop3A_335, %parallel_loop3A_336] {strides = array<i32>} : memref<2x8x2048xf32, #tpu.memory_space<vmem>>, vector<1x1x16xf32>,
        %parallel_loop3A_338 = vector.shape_cast %parallel_loop3A_337 : vector<1x1x16xf32> to vector<16xf32>
        %parallel_loop3A_339 = arith.constant 1.000000e+00 : f32
        %parallel_loop3A_340 = vector.broadcast %parallel_loop3A_339 : f32 to vector<16xf32>
        %parallel_loop3A_341 = arith.cmpf oeq, %parallel_loop3A_331, %parallel_loop3A_340 : vector<16xf32>
        %parallel_loop3A_342 = arith.constant 0.000000e+00 : f32
        %parallel_loop3A_343 = vector.broadcast %parallel_loop3A_342 : f32 to vector<16xf32>
        %parallel_loop3A_344 = arith.select %parallel_loop3A_341, %parallel_loop3A_343, %parallel_loop3A_331 : vector<16xi1>, vector<16xf32>
        %parallel_loop3A_345 = arith.addf %parallel_loop3A_344, %parallel_loop3A_338 : vector<16xf32>
        %parallel_loop3A_346 = arith.constant 1 : i32
        %parallel_loop3A_347 = arith.constant 1 : i32
        %parallel_loop3A_348 = arith.index_cast %parallel_loop3A_346 : i32 to index
        %parallel_loop3A_349 = arith.index_cast %parallel_loop3A_347 : i32 to index
        %parallel_loop3A_350 = arith.index_cast %parallel_loop3A_295 : i32 to index
        %parallel_loop3A_351 = tpu.vector_load %arg7[%parallel_loop3A_348, %parallel_loop3A_349, %parallel_loop3A_350] {strides = array<i32>} : memref<2x8x2048xf32, #tpu.memory_space<vmem>>, vector<1x1x16xf32>,
        %parallel_loop3A_352 = vector.shape_cast %parallel_loop3A_351 : vector<1x1x16xf32> to vector<16xf32>
        %parallel_loop3A_353 = vector.shape_cast %parallel_loop3A_345 : vector<16xf32> to vector<1x1x16xf32>
        tpu.vector_store %arg7[%parallel_loop3A_348, %parallel_loop3A_349, %parallel_loop3A_350], %parallel_loop3A_353 {strides = array<i32>} : memref<2x8x2048xf32, #tpu.memory_space<vmem>>, vector<1x1x16xf32>,
        %parallel_loop3A_354 = arith.constant 1 : i32
        %parallel_loop3A_355 = arith.constant 2 : i32
        %parallel_loop3A_356 = arith.index_cast %parallel_loop3A_354 : i32 to index
        %parallel_loop3A_357 = arith.index_cast %parallel_loop3A_355 : i32 to index
        %parallel_loop3A_358 = arith.index_cast %parallel_loop3A_295 : i32 to index
        %parallel_loop3A_359 = tpu.vector_load %arg5[%parallel_loop3A_356, %parallel_loop3A_357, %parallel_loop3A_358] {strides = array<i32>} : memref<2x8x2048xf32, #tpu.memory_space<vmem>>, vector<1x1x16xf32>,
        %parallel_loop3A_360 = vector.shape_cast %parallel_loop3A_359 : vector<1x1x16xf32> to vector<16xf32>
        %parallel_loop3A_361 = arith.constant 1 : i32
        %parallel_loop3A_362 = arith.constant 2 : i32
        %parallel_loop3A_363 = arith.index_cast %parallel_loop3A_361 : i32 to index
        %parallel_loop3A_364 = arith.index_cast %parallel_loop3A_362 : i32 to index
        %parallel_loop3A_365 = arith.index_cast %parallel_loop3A_295 : i32 to index
        %parallel_loop3A_366 = tpu.vector_load %arg6[%parallel_loop3A_363, %parallel_loop3A_364, %parallel_loop3A_365] {strides = array<i32>} : memref<2x8x2048xf32, #tpu.memory_space<vmem>>, vector<1x1x16xf32>,
        %parallel_loop3A_367 = vector.shape_cast %parallel_loop3A_366 : vector<1x1x16xf32> to vector<16xf32>
        %parallel_loop3A_368 = arith.constant 1.000000e+00 : f32
        %parallel_loop3A_369 = vector.broadcast %parallel_loop3A_368 : f32 to vector<16xf32>
        %parallel_loop3A_370 = arith.cmpf oeq, %parallel_loop3A_360, %parallel_loop3A_369 : vector<16xf32>
        %parallel_loop3A_371 = arith.constant 0.000000e+00 : f32
        %parallel_loop3A_372 = vector.broadcast %parallel_loop3A_371 : f32 to vector<16xf32>
        %parallel_loop3A_373 = arith.select %parallel_loop3A_370, %parallel_loop3A_372, %parallel_loop3A_360 : vector<16xi1>, vector<16xf32>
        %parallel_loop3A_374 = arith.addf %parallel_loop3A_373, %parallel_loop3A_367 : vector<16xf32>
        %parallel_loop3A_375 = arith.constant 1 : i32
        %parallel_loop3A_376 = arith.constant 2 : i32
        %parallel_loop3A_377 = arith.index_cast %parallel_loop3A_375 : i32 to index
        %parallel_loop3A_378 = arith.index_cast %parallel_loop3A_376 : i32 to index
        %parallel_loop3A_379 = arith.index_cast %parallel_loop3A_295 : i32 to index
        %parallel_loop3A_380 = tpu.vector_load %arg7[%parallel_loop3A_377, %parallel_loop3A_378, %parallel_loop3A_379] {strides = array<i32>} : memref<2x8x2048xf32, #tpu.memory_space<vmem>>, vector<1x1x16xf32>,
        %parallel_loop3A_381 = vector.shape_cast %parallel_loop3A_380 : vector<1x1x16xf32> to vector<16xf32>
        %parallel_loop3A_382 = vector.shape_cast %parallel_loop3A_374 : vector<16xf32> to vector<1x1x16xf32>
        tpu.vector_store %arg7[%parallel_loop3A_377, %parallel_loop3A_378, %parallel_loop3A_379], %parallel_loop3A_382 {strides = array<i32>} : memref<2x8x2048xf32, #tpu.memory_space<vmem>>, vector<1x1x16xf32>,
        %parallel_loop3A_383 = arith.constant 1 : i32
        %parallel_loop3A_384 = arith.constant 3 : i32
        %parallel_loop3A_385 = arith.index_cast %parallel_loop3A_383 : i32 to index
        %parallel_loop3A_386 = arith.index_cast %parallel_loop3A_384 : i32 to index
        %parallel_loop3A_387 = arith.index_cast %parallel_loop3A_295 : i32 to index
        %parallel_loop3A_388 = tpu.vector_load %arg5[%parallel_loop3A_385, %parallel_loop3A_386, %parallel_loop3A_387] {strides = array<i32>} : memref<2x8x2048xf32, #tpu.memory_space<vmem>>, vector<1x1x16xf32>,
        %parallel_loop3A_389 = vector.shape_cast %parallel_loop3A_388 : vector<1x1x16xf32> to vector<16xf32>
        %parallel_loop3A_390 = arith.constant 1 : i32
        %parallel_loop3A_391 = arith.constant 3 : i32
        %parallel_loop3A_392 = arith.index_cast %parallel_loop3A_390 : i32 to index
        %parallel_loop3A_393 = arith.index_cast %parallel_loop3A_391 : i32 to index
        %parallel_loop3A_394 = arith.index_cast %parallel_loop3A_295 : i32 to index
        %parallel_loop3A_395 = tpu.vector_load %arg6[%parallel_loop3A_392, %parallel_loop3A_393, %parallel_loop3A_394] {strides = array<i32>} : memref<2x8x2048xf32, #tpu.memory_space<vmem>>, vector<1x1x16xf32>,
        %parallel_loop3A_396 = vector.shape_cast %parallel_loop3A_395 : vector<1x1x16xf32> to vector<16xf32>
        %parallel_loop3A_397 = arith.constant 1.000000e+00 : f32
        %parallel_loop3A_398 = vector.broadcast %parallel_loop3A_397 : f32 to vector<16xf32>
        %parallel_loop3A_399 = arith.cmpf oeq, %parallel_loop3A_389, %parallel_loop3A_398 : vector<16xf32>
        %parallel_loop3A_400 = arith.constant 0.000000e+00 : f32
        %parallel_loop3A_401 = vector.broadcast %parallel_loop3A_400 : f32 to vector<16xf32>
        %parallel_loop3A_402 = arith.select %parallel_loop3A_399, %parallel_loop3A_401, %parallel_loop3A_389 : vector<16xi1>, vector<16xf32>
        %parallel_loop3A_403 = arith.addf %parallel_loop3A_402, %parallel_loop3A_396 : vector<16xf32>
        %parallel_loop3A_404 = arith.constant 1 : i32
        %parallel_loop3A_405 = arith.constant 3 : i32
        %parallel_loop3A_406 = arith.index_cast %parallel_loop3A_404 : i32 to index
        %parallel_loop3A_407 = arith.index_cast %parallel_loop3A_405 : i32 to index
        %parallel_loop3A_408 = arith.index_cast %parallel_loop3A_295 : i32 to index
        %parallel_loop3A_409 = tpu.vector_load %arg7[%parallel_loop3A_406, %parallel_loop3A_407, %parallel_loop3A_408] {strides = array<i32>} : memref<2x8x2048xf32, #tpu.memory_space<vmem>>, vector<1x1x16xf32>,
        %parallel_loop3A_410 = vector.shape_cast %parallel_loop3A_409 : vector<1x1x16xf32> to vector<16xf32>
        %parallel_loop3A_411 = vector.shape_cast %parallel_loop3A_403 : vector<16xf32> to vector<1x1x16xf32>
        tpu.vector_store %arg7[%parallel_loop3A_406, %parallel_loop3A_407, %parallel_loop3A_408], %parallel_loop3A_411 {strides = array<i32>} : memref<2x8x2048xf32, #tpu.memory_space<vmem>>, vector<1x1x16xf32>,
        %parallel_loop3A_412 = arith.constant 1 : i32
        %parallel_loop3A_413 = arith.constant 4 : i32
        %parallel_loop3A_414 = arith.index_cast %parallel_loop3A_412 : i32 to index
        %parallel_loop3A_415 = arith.index_cast %parallel_loop3A_413 : i32 to index
        %parallel_loop3A_416 = arith.index_cast %parallel_loop3A_295 : i32 to index
        %parallel_loop3A_417 = tpu.vector_load %arg5[%parallel_loop3A_414, %parallel_loop3A_415, %parallel_loop3A_416] {strides = array<i32>} : memref<2x8x2048xf32, #tpu.memory_space<vmem>>, vector<1x1x16xf32>,
        %parallel_loop3A_418 = vector.shape_cast %parallel_loop3A_417 : vector<1x1x16xf32> to vector<16xf32>
        %parallel_loop3A_419 = arith.constant 1 : i32
        %parallel_loop3A_420 = arith.constant 4 : i32
        %parallel_loop3A_421 = arith.index_cast %parallel_loop3A_419 : i32 to index
        %parallel_loop3A_422 = arith.index_cast %parallel_loop3A_420 : i32 to index
        %parallel_loop3A_423 = arith.index_cast %parallel_loop3A_295 : i32 to index
        %parallel_loop3A_424 = tpu.vector_load %arg6[%parallel_loop3A_421, %parallel_loop3A_422, %parallel_loop3A_423] {strides = array<i32>} : memref<2x8x2048xf32, #tpu.memory_space<vmem>>, vector<1x1x16xf32>,
        %parallel_loop3A_425 = vector.shape_cast %parallel_loop3A_424 : vector<1x1x16xf32> to vector<16xf32>
        %parallel_loop3A_426 = arith.constant 1.000000e+00 : f32
        %parallel_loop3A_427 = vector.broadcast %parallel_loop3A_426 : f32 to vector<16xf32>
        %parallel_loop3A_428 = arith.cmpf oeq, %parallel_loop3A_418, %parallel_loop3A_427 : vector<16xf32>
        %parallel_loop3A_429 = arith.constant 0.000000e+00 : f32
        %parallel_loop3A_430 = vector.broadcast %parallel_loop3A_429 : f32 to vector<16xf32>
        %parallel_loop3A_431 = arith.select %parallel_loop3A_428, %parallel_loop3A_430, %parallel_loop3A_418 : vector<16xi1>, vector<16xf32>
        %parallel_loop3A_432 = arith.addf %parallel_loop3A_431, %parallel_loop3A_425 : vector<16xf32>
        %parallel_loop3A_433 = arith.constant 1 : i32
        %parallel_loop3A_434 = arith.constant 4 : i32
        %parallel_loop3A_435 = arith.index_cast %parallel_loop3A_433 : i32 to index
        %parallel_loop3A_436 = arith.index_cast %parallel_loop3A_434 : i32 to index
        %parallel_loop3A_437 = arith.index_cast %parallel_loop3A_295 : i32 to index
        %parallel_loop3A_438 = tpu.vector_load %arg7[%parallel_loop3A_435, %parallel_loop3A_436, %parallel_loop3A_437] {strides = array<i32>} : memref<2x8x2048xf32, #tpu.memory_space<vmem>>, vector<1x1x16xf32>,
        %parallel_loop3A_439 = vector.shape_cast %parallel_loop3A_438 : vector<1x1x16xf32> to vector<16xf32>
        %parallel_loop3A_440 = vector.shape_cast %parallel_loop3A_432 : vector<16xf32> to vector<1x1x16xf32>
        tpu.vector_store %arg7[%parallel_loop3A_435, %parallel_loop3A_436, %parallel_loop3A_437], %parallel_loop3A_440 {strides = array<i32>} : memref<2x8x2048xf32, #tpu.memory_space<vmem>>, vector<1x1x16xf32>,
        %parallel_loop3A_441 = arith.constant 1 : i32
        %parallel_loop3A_442 = arith.constant 5 : i32
        %parallel_loop3A_443 = arith.index_cast %parallel_loop3A_441 : i32 to index
        %parallel_loop3A_444 = arith.index_cast %parallel_loop3A_442 : i32 to index
        %parallel_loop3A_445 = arith.index_cast %parallel_loop3A_295 : i32 to index
        %parallel_loop3A_446 = tpu.vector_load %arg5[%parallel_loop3A_443, %parallel_loop3A_444, %parallel_loop3A_445] {strides = array<i32>} : memref<2x8x2048xf32, #tpu.memory_space<vmem>>, vector<1x1x16xf32>,
        %parallel_loop3A_447 = vector.shape_cast %parallel_loop3A_446 : vector<1x1x16xf32> to vector<16xf32>
        %parallel_loop3A_448 = arith.constant 1 : i32
        %parallel_loop3A_449 = arith.constant 5 : i32
        %parallel_loop3A_450 = arith.index_cast %parallel_loop3A_448 : i32 to index
        %parallel_loop3A_451 = arith.index_cast %parallel_loop3A_449 : i32 to index
        %parallel_loop3A_452 = arith.index_cast %parallel_loop3A_295 : i32 to index
        %parallel_loop3A_453 = tpu.vector_load %arg6[%parallel_loop3A_450, %parallel_loop3A_451, %parallel_loop3A_452] {strides = array<i32>} : memref<2x8x2048xf32, #tpu.memory_space<vmem>>, vector<1x1x16xf32>,
        %parallel_loop3A_454 = vector.shape_cast %parallel_loop3A_453 : vector<1x1x16xf32> to vector<16xf32>
        %parallel_loop3A_455 = arith.constant 1.000000e+00 : f32
        %parallel_loop3A_456 = vector.broadcast %parallel_loop3A_455 : f32 to vector<16xf32>
        %parallel_loop3A_457 = arith.cmpf oeq, %parallel_loop3A_447, %parallel_loop3A_456 : vector<16xf32>
        %parallel_loop3A_458 = arith.constant 0.000000e+00 : f32
        %parallel_loop3A_459 = vector.broadcast %parallel_loop3A_458 : f32 to vector<16xf32>
        %parallel_loop3A_460 = arith.select %parallel_loop3A_457, %parallel_loop3A_459, %parallel_loop3A_447 : vector<16xi1>, vector<16xf32>
        %parallel_loop3A_461 = arith.addf %parallel_loop3A_460, %parallel_loop3A_454 : vector<16xf32>
        %parallel_loop3A_462 = arith.constant 1 : i32
        %parallel_loop3A_463 = arith.constant 5 : i32
        %parallel_loop3A_464 = arith.index_cast %parallel_loop3A_462 : i32 to index
        %parallel_loop3A_465 = arith.index_cast %parallel_loop3A_463 : i32 to index
        %parallel_loop3A_466 = arith.index_cast %parallel_loop3A_295 : i32 to index
        %parallel_loop3A_467 = tpu.vector_load %arg7[%parallel_loop3A_464, %parallel_loop3A_465, %parallel_loop3A_466] {strides = array<i32>} : memref<2x8x2048xf32, #tpu.memory_space<vmem>>, vector<1x1x16xf32>,
        %parallel_loop3A_468 = vector.shape_cast %parallel_loop3A_467 : vector<1x1x16xf32> to vector<16xf32>
        %parallel_loop3A_469 = vector.shape_cast %parallel_loop3A_461 : vector<16xf32> to vector<1x1x16xf32>
        tpu.vector_store %arg7[%parallel_loop3A_464, %parallel_loop3A_465, %parallel_loop3A_466], %parallel_loop3A_469 {strides = array<i32>} : memref<2x8x2048xf32, #tpu.memory_space<vmem>>, vector<1x1x16xf32>,
        %parallel_loop3A_470 = arith.constant 1 : i32
        %parallel_loop3A_471 = arith.constant 6 : i32
        %parallel_loop3A_472 = arith.index_cast %parallel_loop3A_470 : i32 to index
        %parallel_loop3A_473 = arith.index_cast %parallel_loop3A_471 : i32 to index
        %parallel_loop3A_474 = arith.index_cast %parallel_loop3A_295 : i32 to index
        %parallel_loop3A_475 = tpu.vector_load %arg5[%parallel_loop3A_472, %parallel_loop3A_473, %parallel_loop3A_474] {strides = array<i32>} : memref<2x8x2048xf32, #tpu.memory_space<vmem>>, vector<1x1x16xf32>,
        %parallel_loop3A_476 = vector.shape_cast %parallel_loop3A_475 : vector<1x1x16xf32> to vector<16xf32>
        %parallel_loop3A_477 = arith.constant 1 : i32
        %parallel_loop3A_478 = arith.constant 6 : i32
        %parallel_loop3A_479 = arith.index_cast %parallel_loop3A_477 : i32 to index
        %parallel_loop3A_480 = arith.index_cast %parallel_loop3A_478 : i32 to index
        %parallel_loop3A_481 = arith.index_cast %parallel_loop3A_295 : i32 to index
        %parallel_loop3A_482 = tpu.vector_load %arg6[%parallel_loop3A_479, %parallel_loop3A_480, %parallel_loop3A_481] {strides = array<i32>} : memref<2x8x2048xf32, #tpu.memory_space<vmem>>, vector<1x1x16xf32>,
        %parallel_loop3A_483 = vector.shape_cast %parallel_loop3A_482 : vector<1x1x16xf32> to vector<16xf32>
        %parallel_loop3A_484 = arith.constant 1.000000e+00 : f32
        %parallel_loop3A_485 = vector.broadcast %parallel_loop3A_484 : f32 to vector<16xf32>
        %parallel_loop3A_486 = arith.cmpf oeq, %parallel_loop3A_476, %parallel_loop3A_485 : vector<16xf32>
        %parallel_loop3A_487 = arith.constant 0.000000e+00 : f32
        %parallel_loop3A_488 = vector.broadcast %parallel_loop3A_487 : f32 to vector<16xf32>
        %parallel_loop3A_489 = arith.select %parallel_loop3A_486, %parallel_loop3A_488, %parallel_loop3A_476 : vector<16xi1>, vector<16xf32>
        %parallel_loop3A_490 = arith.addf %parallel_loop3A_489, %parallel_loop3A_483 : vector<16xf32>
        %parallel_loop3A_491 = arith.constant 1 : i32
        %parallel_loop3A_492 = arith.constant 6 : i32
        %parallel_loop3A_493 = arith.index_cast %parallel_loop3A_491 : i32 to index
        %parallel_loop3A_494 = arith.index_cast %parallel_loop3A_492 : i32 to index
        %parallel_loop3A_495 = arith.index_cast %parallel_loop3A_295 : i32 to index
        %parallel_loop3A_496 = tpu.vector_load %arg7[%parallel_loop3A_493, %parallel_loop3A_494, %parallel_loop3A_495] {strides = array<i32>} : memref<2x8x2048xf32, #tpu.memory_space<vmem>>, vector<1x1x16xf32>,
        %parallel_loop3A_497 = vector.shape_cast %parallel_loop3A_496 : vector<1x1x16xf32> to vector<16xf32>
        %parallel_loop3A_498 = vector.shape_cast %parallel_loop3A_490 : vector<16xf32> to vector<1x1x16xf32>
        tpu.vector_store %arg7[%parallel_loop3A_493, %parallel_loop3A_494, %parallel_loop3A_495], %parallel_loop3A_498 {strides = array<i32>} : memref<2x8x2048xf32, #tpu.memory_space<vmem>>, vector<1x1x16xf32>,
        %parallel_loop3A_499 = arith.constant 1 : i32
        %parallel_loop3A_500 = arith.constant 7 : i32
        %parallel_loop3A_501 = arith.index_cast %parallel_loop3A_499 : i32 to index
        %parallel_loop3A_502 = arith.index_cast %parallel_loop3A_500 : i32 to index
        %parallel_loop3A_503 = arith.index_cast %parallel_loop3A_295 : i32 to index
        %parallel_loop3A_504 = tpu.vector_load %arg5[%parallel_loop3A_501, %parallel_loop3A_502, %parallel_loop3A_503] {strides = array<i32>} : memref<2x8x2048xf32, #tpu.memory_space<vmem>>, vector<1x1x16xf32>,
        %parallel_loop3A_505 = vector.shape_cast %parallel_loop3A_504 : vector<1x1x16xf32> to vector<16xf32>
        %parallel_loop3A_506 = arith.constant 1 : i32
        %parallel_loop3A_507 = arith.constant 7 : i32
        %parallel_loop3A_508 = arith.index_cast %parallel_loop3A_506 : i32 to index
        %parallel_loop3A_509 = arith.index_cast %parallel_loop3A_507 : i32 to index
        %parallel_loop3A_510 = arith.index_cast %parallel_loop3A_295 : i32 to index
        %parallel_loop3A_511 = tpu.vector_load %arg6[%parallel_loop3A_508, %parallel_loop3A_509, %parallel_loop3A_510] {strides = array<i32>} : memref<2x8x2048xf32, #tpu.memory_space<vmem>>, vector<1x1x16xf32>,
        %parallel_loop3A_512 = vector.shape_cast %parallel_loop3A_511 : vector<1x1x16xf32> to vector<16xf32>
        %parallel_loop3A_513 = arith.constant 1.000000e+00 : f32
        %parallel_loop3A_514 = vector.broadcast %parallel_loop3A_513 : f32 to vector<16xf32>
        %parallel_loop3A_515 = arith.cmpf oeq, %parallel_loop3A_505, %parallel_loop3A_514 : vector<16xf32>
        %parallel_loop3A_516 = arith.constant 0.000000e+00 : f32
        %parallel_loop3A_517 = vector.broadcast %parallel_loop3A_516 : f32 to vector<16xf32>
        %parallel_loop3A_518 = arith.select %parallel_loop3A_515, %parallel_loop3A_517, %parallel_loop3A_505 : vector<16xi1>, vector<16xf32>
        %parallel_loop3A_519 = arith.addf %parallel_loop3A_518, %parallel_loop3A_512 : vector<16xf32>
        %parallel_loop3A_520 = arith.constant 1 : i32
        %parallel_loop3A_521 = arith.constant 7 : i32
        %parallel_loop3A_522 = arith.index_cast %parallel_loop3A_520 : i32 to index
        %parallel_loop3A_523 = arith.index_cast %parallel_loop3A_521 : i32 to index
        %parallel_loop3A_524 = arith.index_cast %parallel_loop3A_295 : i32 to index
        %parallel_loop3A_525 = tpu.vector_load %arg7[%parallel_loop3A_522, %parallel_loop3A_523, %parallel_loop3A_524] {strides = array<i32>} : memref<2x8x2048xf32, #tpu.memory_space<vmem>>, vector<1x1x16xf32>,
        %parallel_loop3A_526 = vector.shape_cast %parallel_loop3A_525 : vector<1x1x16xf32> to vector<16xf32>
        %parallel_loop3A_527 = vector.shape_cast %parallel_loop3A_519 : vector<16xf32> to vector<1x1x16xf32>
        tpu.vector_store %arg7[%parallel_loop3A_522, %parallel_loop3A_523, %parallel_loop3A_524], %parallel_loop3A_527 {strides = array<i32>} : memref<2x8x2048xf32, #tpu.memory_space<vmem>>, vector<1x1x16xf32>,
      } {sc.loop_unroll_factor = 4 : i64, sc.parallel_access}
      %mul3A_266 = arith.constant 2048 : i32
      %mul3A_267 = arith.muli %add3A_221, %mul3A_266 : i32
      %add3A_268 = arith.addi %multiple_of3A, %mul3A_267 : i32
      %multiple_of3A_269 = tpu.assume_multiple %add3A_268, 2048 : i32
      %mul3A_270 = arith.constant 8 : i32
      %mul3A_271 = arith.muli %select_n3A, %mul3A_270 : i32
      %dma_start3A_272 = arith.constant 1 : i32
      %dma_start3A_273 = arith.constant 1 : i32
      %dma_start3A_274 = arith.constant 0 : i32
      %dma_start3A_275 = arith.constant 0 : i32
      %dma_start3A_276 = tpu.memref_slice %arg7[%dma_start3A_272, %dma_start3A_274, %dma_start3A_275] : memref<2x8x2048xf32, #tpu.memory_space<vmem>> -> memref<1x8x2048xf32, #tpu.memory_space<vmem>>
      %dma_start3A_277 = tpu.memref_squeeze %dma_start3A_276 : memref<1x8x2048xf32, #tpu.memory_space<vmem>> -> memref<8x2048xf32, #tpu.memory_space<vmem>>
      %dma_start3A_278 = tpu.memref_slice %arg4[%mul3A_271, %multiple_of3A_269] : memref<16x262144xf32, #tpu.memory_space<hbm>> -> memref<8x2048xf32, #tpu.memory_space<hbm>>
      %dma_start3A_279 = tpu.memref_slice %arg10[%dma_start3A_273] : memref<2x!tpu.dma_semaphore, #tpu.memory_space<semaphore_mem>> -> memref<1x!tpu.dma_semaphore, #tpu.memory_space<semaphore_mem>>
      %dma_start3A_280 = tpu.memref_squeeze %dma_start3A_279 : memref<1x!tpu.dma_semaphore, #tpu.memory_space<semaphore_mem>> -> memref<!tpu.dma_semaphore, #tpu.memory_space<semaphore_mem>>
      %dma_start3A_281 = tpu.memref_slice %arg4[%mul3A_271, %multiple_of3A_269] : memref<16x262144xf32, #tpu.memory_space<hbm>> -> memref<8x2048xf32, #tpu.memory_space<hbm>>
      %dma_start3A_282 = arith.constant 0 : i32
      %dma_start3A_283 = arith.constant 0 : i32
      %dma_start3A_284 = tpu.memref_slice %arg7[%dma_start3A_272, %dma_start3A_282, %dma_start3A_283] : memref<2x8x2048xf32, #tpu.memory_space<vmem>> -> memref<1x8x2048xf32, #tpu.memory_space<vmem>>
      %dma_start3A_285 = tpu.memref_squeeze %dma_start3A_284 : memref<1x8x2048xf32, #tpu.memory_space<vmem>> -> memref<8x2048xf32, #tpu.memory_space<vmem>>
      tpu.enqueue_dma source(%dma_start3A_285 : memref<8x2048xf32, #tpu.memory_space<vmem>>) target(%dma_start3A_281 : memref<8x2048xf32, #tpu.memory_space<hbm>>) target_semaphore(%dma_start3A_280 : memref<!tpu.dma_semaphore, #tpu.memory_space<semaphore_mem>>)
      %add3A_286 = arith.constant 2 : i32
      %add3A_287 = arith.addi %add3A_221, %add3A_286 : i32
      %lt3A_288 = arith.constant 8 : i32
      %lt3A_289 = arith.cmpi slt, %add3A_287, %lt3A_288 : i32
      %convert_element_type3A_290 = arith.extui %lt3A_289 : i1 to i32
      %cond3A_291 = arith.constant 0 : i32
      %cond3A_292 = arith.cmpi ne, %convert_element_type3A_290, %cond3A_291 : i32
      scf.if %cond3A_292 {
        %add3A_293 = arith.constant 2 : i32
        %add3A_294 = arith.addi %add3A_221, %add3A_293 : i32
        %mul3A_295 = arith.constant 2048 : i32
        %mul3A_296 = arith.muli %add3A_294, %mul3A_295 : i32
        %add3A_297 = arith.addi %multiple_of3A, %mul3A_296 : i32
        %multiple_of3A_298 = tpu.assume_multiple %add3A_297, 2048 : i32
        %mul3A_299 = arith.constant 8 : i32
        %mul3A_300 = arith.muli %select_n3A, %mul3A_299 : i32
        %add3A_301 = arith.constant 1835008 : i32
        %add3A_302 = arith.addi %add3A_301, %multiple_of3A_298 : i32
        %dma_start3A_303 = arith.constant 1 : i32
        %dma_start3A_304 = arith.constant 1 : i32
        %dma_start3A_305 = arith.constant 0 : i32
        %dma_start3A_306 = arith.constant 0 : i32
        %dma_start3A_307 = tpu.memref_slice %arg5[%dma_start3A_303, %dma_start3A_305, %dma_start3A_306] : memref<2x8x2048xf32, #tpu.memory_space<vmem>> -> memref<1x8x2048xf32, #tpu.memory_space<vmem>>
        %dma_start3A_308 = tpu.memref_squeeze %dma_start3A_307 : memref<1x8x2048xf32, #tpu.memory_space<vmem>> -> memref<8x2048xf32, #tpu.memory_space<vmem>>
        %dma_start3A_309 = tpu.memref_slice %arg2[%mul3A_300, %add3A_302] : memref<16x2097152xf32, #tpu.memory_space<hbm>> -> memref<8x2048xf32, #tpu.memory_space<hbm>>
        %dma_start3A_310 = tpu.memref_slice %arg8[%dma_start3A_304] : memref<2x!tpu.dma_semaphore, #tpu.memory_space<semaphore_mem>> -> memref<1x!tpu.dma_semaphore, #tpu.memory_space<semaphore_mem>>
        %dma_start3A_311 = tpu.memref_squeeze %dma_start3A_310 : memref<1x!tpu.dma_semaphore, #tpu.memory_space<semaphore_mem>> -> memref<!tpu.dma_semaphore, #tpu.memory_space<semaphore_mem>>
        %dma_start3A_312 = arith.constant 0 : i32
        %dma_start3A_313 = arith.constant 0 : i32
        %dma_start3A_314 = tpu.memref_slice %arg5[%dma_start3A_303, %dma_start3A_312, %dma_start3A_313] : memref<2x8x2048xf32, #tpu.memory_space<vmem>> -> memref<1x8x2048xf32, #tpu.memory_space<vmem>>
        %dma_start3A_315 = tpu.memref_squeeze %dma_start3A_314 : memref<1x8x2048xf32, #tpu.memory_space<vmem>> -> memref<8x2048xf32, #tpu.memory_space<vmem>>
        %dma_start3A_316 = tpu.memref_slice %arg2[%mul3A_300, %add3A_302] : memref<16x2097152xf32, #tpu.memory_space<hbm>> -> memref<8x2048xf32, #tpu.memory_space<hbm>>
        tpu.enqueue_dma source(%dma_start3A_316 : memref<8x2048xf32, #tpu.memory_space<hbm>>) target(%dma_start3A_315 : memref<8x2048xf32, #tpu.memory_space<vmem>>) target_semaphore(%dma_start3A_311 : memref<!tpu.dma_semaphore, #tpu.memory_space<semaphore_mem>>)
        %mul3A_317 = arith.constant 8 : i32
        %mul3A_318 = arith.muli %select_n3A, %mul3A_317 : i32
        %add3A_319 = arith.constant 1835008 : i32
        %add3A_320 = arith.addi %add3A_319, %multiple_of3A_298 : i32
        %dma_start3A_321 = arith.constant 1 : i32
        %dma_start3A_322 = arith.constant 1 : i32
        %dma_start3A_323 = arith.constant 0 : i32
        %dma_start3A_324 = arith.constant 0 : i32
        %dma_start3A_325 = tpu.memref_slice %arg6[%dma_start3A_321, %dma_start3A_323, %dma_start3A_324] : memref<2x8x2048xf32, #tpu.memory_space<vmem>> -> memref<1x8x2048xf32, #tpu.memory_space<vmem>>
        %dma_start3A_326 = tpu.memref_squeeze %dma_start3A_325 : memref<1x8x2048xf32, #tpu.memory_space<vmem>> -> memref<8x2048xf32, #tpu.memory_space<vmem>>
        %dma_start3A_327 = tpu.memref_slice %arg3[%mul3A_318, %add3A_320] : memref<16x2097152xf32, #tpu.memory_space<hbm>> -> memref<8x2048xf32, #tpu.memory_space<hbm>>
        %dma_start3A_328 = tpu.memref_slice %arg9[%dma_start3A_322] : memref<2x!tpu.dma_semaphore, #tpu.memory_space<semaphore_mem>> -> memref<1x!tpu.dma_semaphore, #tpu.memory_space<semaphore_mem>>
        %dma_start3A_329 = tpu.memref_squeeze %dma_start3A_328 : memref<1x!tpu.dma_semaphore, #tpu.memory_space<semaphore_mem>> -> memref<!tpu.dma_semaphore, #tpu.memory_space<semaphore_mem>>
        %dma_start3A_330 = arith.constant 0 : i32
        %dma_start3A_331 = arith.constant 0 : i32
        %dma_start3A_332 = tpu.memref_slice %arg6[%dma_start3A_321, %dma_start3A_330, %dma_start3A_331] : memref<2x8x2048xf32, #tpu.memory_space<vmem>> -> memref<1x8x2048xf32, #tpu.memory_space<vmem>>
        %dma_start3A_333 = tpu.memref_squeeze %dma_start3A_332 : memref<1x8x2048xf32, #tpu.memory_space<vmem>> -> memref<8x2048xf32, #tpu.memory_space<vmem>>
        %dma_start3A_334 = tpu.memref_slice %arg3[%mul3A_318, %add3A_320] : memref<16x2097152xf32, #tpu.memory_space<hbm>> -> memref<8x2048xf32, #tpu.memory_space<hbm>>
        tpu.enqueue_dma source(%dma_start3A_334 : memref<8x2048xf32, #tpu.memory_space<hbm>>) target(%dma_start3A_333 : memref<8x2048xf32, #tpu.memory_space<vmem>>) target_semaphore(%dma_start3A_329 : memref<!tpu.dma_semaphore, #tpu.memory_space<semaphore_mem>>)
      } else {
      }
    }
    %scan3A_114 = arith.constant 4 : i32
    %mul3A_115 = arith.constant 8 : i32
    %mul3A_116 = arith.muli %select_n3A, %mul3A_115 : i32
    %dma_wait3A = arith.constant 0 : i32
    %dma_wait3A_117 = arith.constant 0 : i32
    %dma_wait3A_118 = arith.constant 0 : i32
    %dma_wait3A_119 = arith.constant 0 : i32
    %dma_wait3A_120 = tpu.memref_slice %arg7[%dma_wait3A, %dma_wait3A_118, %dma_wait3A_119] : memref<2x8x2048xf32, #tpu.memory_space<vmem>> -> memref<1x8x2048xf32, #tpu.memory_space<vmem>>
    %dma_wait3A_121 = tpu.memref_squeeze %dma_wait3A_120 : memref<1x8x2048xf32, #tpu.memory_space<vmem>> -> memref<8x2048xf32, #tpu.memory_space<vmem>>
    %dma_wait3A_122 = tpu.memref_slice %arg4[%mul3A_116, %multiple_of3A] : memref<16x262144xf32, #tpu.memory_space<hbm>> -> memref<8x2048xf32, #tpu.memory_space<hbm>>
    %dma_wait3A_123 = tpu.memref_slice %arg10[%dma_wait3A_117] : memref<2x!tpu.dma_semaphore, #tpu.memory_space<semaphore_mem>> -> memref<1x!tpu.dma_semaphore, #tpu.memory_space<semaphore_mem>>
    %dma_wait3A_124 = tpu.memref_squeeze %dma_wait3A_123 : memref<1x!tpu.dma_semaphore, #tpu.memory_space<semaphore_mem>> -> memref<!tpu.dma_semaphore, #tpu.memory_space<semaphore_mem>>
    %dma_wait3A_125 = tpu.memref_slice %arg4[%mul3A_116, %multiple_of3A] : memref<16x262144xf32, #tpu.memory_space<hbm>> -> memref<8x2048xf32, #tpu.memory_space<hbm>>
    %dma_wait3A_126 = arith.constant 0 : i32
    %dma_wait3A_127 = arith.constant 0 : i32
    %dma_wait3A_128 = tpu.memref_slice %arg7[%dma_wait3A, %dma_wait3A_126, %dma_wait3A_127] : memref<2x8x2048xf32, #tpu.memory_space<vmem>> -> memref<1x8x2048xf32, #tpu.memory_space<vmem>>
    %dma_wait3A_129 = tpu.memref_squeeze %dma_wait3A_128 : memref<1x8x2048xf32, #tpu.memory_space<vmem>> -> memref<8x2048xf32, #tpu.memory_space<vmem>>
    tpu.wait_dma2 semaphore(%dma_wait3A_124 : memref<!tpu.dma_semaphore, #tpu.memory_space<semaphore_mem>>) src(%dma_wait3A_129 : memref<8x2048xf32, #tpu.memory_space<vmem>>) dst(%dma_wait3A_125 : memref<8x2048xf32, #tpu.memory_space<hbm>>)
    %mul3A_130 = arith.constant 8 : i32
    %mul3A_131 = arith.muli %select_n3A, %mul3A_130 : i32
    %dma_wait3A_132 = arith.constant 1 : i32
    %dma_wait3A_133 = arith.constant 1 : i32
    %dma_wait3A_134 = arith.constant 0 : i32
    %dma_wait3A_135 = arith.constant 0 : i32
    %dma_wait3A_136 = tpu.memref_slice %arg7[%dma_wait3A_132, %dma_wait3A_134, %dma_wait3A_135] : memref<2x8x2048xf32, #tpu.memory_space<vmem>> -> memref<1x8x2048xf32, #tpu.memory_space<vmem>>
    %dma_wait3A_137 = tpu.memref_squeeze %dma_wait3A_136 : memref<1x8x2048xf32, #tpu.memory_space<vmem>> -> memref<8x2048xf32, #tpu.memory_space<vmem>>
    %dma_wait3A_138 = tpu.memref_slice %arg4[%mul3A_131, %multiple_of3A] : memref<16x262144xf32, #tpu.memory_space<hbm>> -> memref<8x2048xf32, #tpu.memory_space<hbm>>
    %dma_wait3A_139 = tpu.memref_slice %arg10[%dma_wait3A_133] : memref<2x!tpu.dma_semaphore, #tpu.memory_space<semaphore_mem>> -> memref<1x!tpu.dma_semaphore, #tpu.memory_space<semaphore_mem>>
    %dma_wait3A_140 = tpu.memref_squeeze %dma_wait3A_139 : memref<1x!tpu.dma_semaphore, #tpu.memory_space<semaphore_mem>> -> memref<!tpu.dma_semaphore, #tpu.memory_space<semaphore_mem>>
    %dma_wait3A_141 = tpu.memref_slice %arg4[%mul3A_131, %multiple_of3A] : memref<16x262144xf32, #tpu.memory_space<hbm>> -> memref<8x2048xf32, #tpu.memory_space<hbm>>
    %dma_wait3A_142 = arith.constant 0 : i32
    %dma_wait3A_143 = arith.constant 0 : i32
    %dma_wait3A_144 = tpu.memref_slice %arg7[%dma_wait3A_132, %dma_wait3A_142, %dma_wait3A_143] : memref<2x8x2048xf32, #tpu.memory_space<vmem>> -> memref<1x8x2048xf32, #tpu.memory_space<vmem>>
    %dma_wait3A_145 = tpu.memref_squeeze %dma_wait3A_144 : memref<1x8x2048xf32, #tpu.memory_space<vmem>> -> memref<8x2048xf32, #tpu.memory_space<vmem>>
    tpu.wait_dma2 semaphore(%dma_wait3A_140 : memref<!tpu.dma_semaphore, #tpu.memory_space<semaphore_mem>>) src(%dma_wait3A_145 : memref<8x2048xf32, #tpu.memory_space<vmem>>) dst(%dma_wait3A_141 : memref<8x2048xf32, #tpu.memory_space<hbm>>)
    return
  }
}

module attributes {stable_mosaic.version = 14 : i64} {
  func.func @_tc_body(%arg0: i32, %arg1: memref<16x65536xf32, #tpu.memory_space<vmem>>, %arg2: memref<16x65536xf32, #tpu.memory_space<vmem>>, %arg3: memref<16x65536xf32, #tpu.memory_space<vmem>>) attributes {dimension_semantics = [#tpu.dimension_semantics<arbitrary>], iteration_bounds = array<i64: 28>, scalar_prefetch = 0 : i64, scratch_operands = 0 : i64, tpu.core_type = #tpu.core_type<tc>, window_params = [{transform_indices = @transform_0, window_bounds = array<i64: 16, 65536>}, {transform_indices = @transform_1, window_bounds = array<i64: 16, 65536>}, {transform_indices = @transform_2, window_bounds = array<i64: 16, 65536>}]} {
    %get3A = arith.constant 0 : index
    %get3A_0 = arith.constant 0 : index
    %get3A_1 = vector.load %arg1[%get3A, %get3A_0] : memref<16x65536xf32, #tpu.memory_space<vmem>>, vector<16x65536xf32>
    %eq3A = arith.constant 1.000000e+00 : f32
    %eq3A_2 = vector.broadcast %eq3A : f32 to vector<16x65536xf32>
    %eq3A_3 = arith.cmpf oeq, %get3A_1, %eq3A_2 : vector<16x65536xf32>
    %jit3A = arith.constant 0.000000e+00 : f32
    %broadcast_in_dim3A = vector.broadcast %jit3A : f32 to vector<16x65536xf32>
    %select_n3A = arith.select %eq3A_3, %broadcast_in_dim3A, %get3A_1 : vector<16x65536xi1>, vector<16x65536xf32>
    %get3A_4 = arith.constant 0 : index
    %get3A_5 = arith.constant 0 : index
    %get3A_6 = vector.load %arg2[%get3A_4, %get3A_5] : memref<16x65536xf32, #tpu.memory_space<vmem>>, vector<16x65536xf32>
    %add3A = arith.addf %select_n3A, %get3A_6 : vector<16x65536xf32>
    %swap3A = arith.constant 0 : index
    %swap3A_7 = arith.constant 0 : index
    %swap3A_8 = vector.load %arg3[%swap3A, %swap3A_7] : memref<16x65536xf32, #tpu.memory_space<vmem>>, vector<16x65536xf32>
    tpu.vector_store %arg3[%swap3A, %swap3A_7], %add3A {strides = array<i32>} : memref<16x65536xf32, #tpu.memory_space<vmem>>, vector<16x65536xf32>,
    return
  }
  func.func @transform_0(%arg0: i32) -> (i32, i32) {
    %c0_i32 = arith.constant 0 : i32
    %c0_i32_0 = arith.constant 0 : i32
    return %c0_i32, %arg0 : i32, i32
  }
  func.func @transform_1(%arg0: i32) -> (i32, i32) {
    %c0_i32 = arith.constant 0 : i32
    %c0_i32_0 = arith.constant 0 : i32
    return %c0_i32, %arg0 : i32, i32
  }
  func.func @transform_2(%arg0: i32) -> (i32, i32) {
    %c0_i32 = arith.constant 0 : i32
    %c0_i32_0 = arith.constant 0 : i32
    return %c0_i32, %arg0 : i32, i32
  }
}

</mosaic_0001>

<sc_bundles>
// kernel: kernel.4.cloned.1.call-start
scs
__scs_entry_jumppad:
0x0: {  	(pc) =	sbr.rel $0x88, $3  }
0x1: {  	(tag) =	ssettag $0x0;
	lr =	simm.s32 $0x1  }
0x2: {  	[smem:$0x3F9F] =	sst lr;
	_ =	strace $0xD0000000  }
0x3: {  	_ = 	snop  }
0x4: {  	_ = 	snop  }
0x5: {  	_ = 	snop  }
0x6: {  	_ = 	snop  }
0x7: {  	_ = 	snop  }
__scs_overlays_trampoline_lowered:
0x8: {  	[smem:$0x3FAE] =	sst s0  }
0x9: {  	[smem:$0x3FAF] =	sst s1  }
0xa: {  	[smem:$0x3FB0] =	sst s2  }
0xb: {  	[smem:$0x3FB1] =	sst s3  }
0xc: {  	[smem:$0x3FB2] =	sst s4  }
0xd: {  	[smem:$0x3FB3] =	sst s5  }
0xe: {  	[smem:$0x3FB4] =	sst s6  }
0xf: {  	[smem:$0x3FB5] =	sst s7  }
0x10: {  	[smem:$0x3FB6] =	sst s8  }
0x11: {  	[smem:$0x3FB7] =	sst s9;
	s0 =	simm.s32 @!p0 $0x0  }
0x12: {  	s1 =	sld [smem:$0x3F9D];
	s0 =	simm.s32 @p0 $0x1  }
0x13: {  	[smem:$0x3FB8] =	sst s0;
	s0 =	simm.s32 @!p1 $0x0  }
0x14: {  	s2 =	sld [smem:$0x3F9C];
	s0 =	simm.s32 @p1 $0x1  }
0x15: {  	[smem:$0x3FB9] =	sst s0;
	s0 =	simm.s32 @!p2 $0x0  }
0x16: {  	s3 =	sld [smem:$0x3FDB];
	s0 =	simm.s32 @p2 $0x1  }
0x17: {  	s4 =	simm.s32 $0x1BF5;
	[smem:$0x3FBB] =	sst s0  }
0x18: {  	s0 =	sld [smem:$0x3F9E];
	_ =	swait.ge [sflag:s4], $0x0  }
0x19: {  	s7 =	sld [smem:$0x3F9F]  }
0x1a: {  	s8 =	sadd.s32 $0xFFFFE003, lr  }
0x1b: {  	s9 =	sadd.s32 $0xFFFFFEF7, lr;
	s5 =	simm.s32 $0xFFFFFFFF;
	p2 =	slt.u32 s8, $0xFFFFF086  }
0x1c: {  	p1 =	slt.u32 s9, $0xF7A;
	s5 =	simm.s32 @!p2 $0x0  }
0x1d: {  	s5 =	simm.s32 @p1 $0x1;
	p0 =	seq.s32 s7, s2  }
0x1e: {  	s7 =	smul.u32 @!p0 $0xF7A, s2;
	p2 =	seq.s32 @!p0 s5, $0x0  }
0x1f: {  	s9 =	smul.u32 $0xF7A, s1;
	s8 =	simm.s32 @!p0 $0x1BF5;
	p2 =	por !p2, p0  }
0x20: {  	[sflag:s8] =	ssyncset.s32 @!p0 $0xFFFFF086;
	s6 =	sadd.s32 @!p0 s3, s7;
	s7 =	simm.s32 @!p0 $0x108  }
0x21: {  	s3 =	sadd.s32 s3, s9;
	s6 =	sadd.s32 @!p0 $0x88, s6;
	s7 =	simm.s32 @p2 $0x1082  }
0x22: {  	[simem:s7], [sflag:s8] =	dma.local @!p0 [hbm:s6], $0xF7A  }
0x23: {  	s9 =	sor.u32 $0xD0000000, s2;
	s6 =	simm.s32 $0x108;
	_ =	swait.ge @!p0 [sflag:s8], $0x0  }
0x24: {  	s3 =	sadd.s32 $0x88, s3;
	s6 =	simm.s32 @!p1 $0x1082;
	[sflag:s4] =	ssyncset.s32 $0xFFFFF086  }
0x25: {  	[simem:s6], [sflag:s4] =	dma.local [hbm:s3], $0xF7A  }
0x26: {  	[smem:$0x3F9F] =	sst s1;
	(tag) =	ssettag s2;
	_ =	strace s9  }
0x27: {  	s1 =	sld [smem:$0x3FAF]  }
0x28: {  	s2 =	sld [smem:$0x3FB0]  }
0x29: {  	s4 =	sld [smem:$0x3FB2]  }
0x2a: {  	p0 =	seq.s32 s5, $0x0;
	s5 =	sld [smem:$0x3FB3]  }
0x2b: {  	s6 =	sld [smem:$0x3FB4]  }
0x2c: {  	s7 =	sld [smem:$0x3FB5]  }
0x2d: {  	s3 =	simm.s32 $0x108;
	s8 =	sld [smem:$0x3FB6]  }
0x2e: {  	s3 =	simm.s32 @!p0 $0x1082;
	s9 =	sld [smem:$0x3FB7]  }
0x2f: {  	lr =	sadd.s32 s0, s3;
	s0 =	sld [smem:$0x3FAE]  }
0x30: {  	s3 =	sld [smem:$0x3FB1]  }
0x31: {  	[smem:$0x3FBA] =	sst s10  }
0x32: {  	s10 =	sld [smem:$0x3FB8];
	_ =	sdelay $0x3  }
0x33: {  	p0 =	seq.s32 s10, $0x1;
	s10 =	sld [smem:$0x3FBA];
	_ =	sdelay $0x3  }
0x34: {  	[smem:$0x3FBA] =	sst s10  }
0x35: {  	s10 =	sld [smem:$0x3FB9];
	_ =	sdelay $0x3  }
0x36: {  	p1 =	seq.s32 s10, $0x1;
	s10 =	sld [smem:$0x3FBA];
	_ =	sdelay $0x3  }
0x37: {  	[smem:$0x3FBA] =	sst s10  }
0x38: {  	s10 =	sld [smem:$0x3FBB]  }
0x39: {  	_ = 	snop;
	(pc) =	sbr.ind lr, $3  }
0x3a: {  	_ = 	snop  }
0x3b: {  	_ = 	snop  }
0x3c: {  	p2 =	seq.s32 s10, $0x1;
	s10 =	sld [smem:$0x3FBA]  }
0x3d: {  	_ =	shalt  }
0x3e: {  	_ =	shalt  }
0x3f: {  	_ =	shalt  }
0x40: {  	_ =	shalt  }
0x41: {  	_ =	shalt  }
0x42: {  	_ =	shalt  }
0x43: {  	_ =	shalt  }
0x44: {  	_ =	shalt  }
0x45: {  	_ =	shalt  }
0x46: {  	_ =	shalt  }
0x47: {  	_ =	shalt  }
0x48: {  	_ =	shalt  }
0x49: {  	_ =	shalt  }
0x4a: {  	_ =	shalt  }
0x4b: {  	_ =	shalt  }
0x4c: {  	_ =	shalt  }
0x4d: {  	_ =	shalt  }
0x4e: {  	_ =	shalt  }
0x4f: {  	_ =	shalt  }
0x50: {  	_ =	shalt  }
0x51: {  	_ =	shalt  }
0x52: {  	_ =	shalt  }
0x53: {  	_ =	shalt  }
0x54: {  	_ =	shalt  }
0x55: {  	_ =	shalt  }
0x56: {  	_ =	shalt  }
0x57: {  	_ =	shalt  }
0x58: {  	_ =	shalt  }
0x59: {  	_ =	shalt  }
0x5a: {  	_ =	shalt  }
0x5b: {  	_ =	shalt  }
0x5c: {  	_ =	shalt  }
0x5d: {  	_ =	shalt  }
0x5e: {  	_ =	shalt  }
0x5f: {  	_ =	shalt  }
0x60: {  	_ =	shalt  }
0x61: {  	_ =	shalt  }
0x62: {  	_ =	shalt  }
0x63: {  	_ =	shalt  }
0x64: {  	_ =	shalt  }
0x65: {  	_ =	shalt  }
0x66: {  	_ =	shalt  }
0x67: {  	_ =	shalt  }
0x68: {  	_ =	shalt  }
0x69: {  	_ =	shalt  }
0x6a: {  	_ =	shalt  }
0x6b: {  	_ =	shalt  }
0x6c: {  	_ =	shalt  }
0x6d: {  	_ =	shalt  }
0x6e: {  	_ =	shalt  }
0x6f: {  	_ =	shalt  }
0x70: {  	_ =	shalt  }
0x71: {  	_ =	shalt  }
0x72: {  	_ =	shalt  }
0x73: {  	_ =	shalt  }
0x74: {  	_ =	shalt  }
0x75: {  	_ =	shalt  }
0x76: {  	_ =	shalt  }
0x77: {  	_ =	shalt  }
0x78: {  	_ =	shalt  }
0x79: {  	_ =	shalt  }
0x7a: {  	_ =	shalt  }
0x7b: {  	_ =	shalt  }
0x7c: {  	_ =	shalt  }
0x7d: {  	_ =	shalt  }
0x7e: {  	_ =	shalt  }
0x7f: {  	_ =	shalt  }
0x80: {  	_ =	shalt  }
0x81: {  	_ =	shalt  }
0x82: {  	_ =	shalt  }
0x83: {  	_ =	shalt  }
0x84: {  	_ =	shalt  }
0x85: {  	_ =	shalt  }
0x86: {  	_ =	shalt  }
0x87: {  	_ =	shalt  }
.Lfunc_end0:
.L_simem_size_0:
called_computation_lowered:
.L_overlay_start_0:
0x88: {  	s2 =	sld [smem:$0x3FD9]  }
0x89: {  	s3 =	sld [smem:$0x3FFE];
	_ =	sdelay $0x1  }
0x8a: {  	s1 =	srdreg.scid  }
0x8b: {  	s0 =	sand.u32 $0x1, s1  }
0x8c: {  	s17 =	sshll.u32 s0, $0xA;
	s2 =	sadd.s32 s3, s2  }
0x8d: {  	s2 =	sadd.s32 s2, s17  }
0x8e: {  	[smem:$0x3FC6] =	sst s2  }
0x8f: {  	_ = 	snop  }
0x90: {  	s2 =	sld [smem:$0x3FC9]  }
0x91: {  	s18 =	sld [smem:$0x3FC8];
	(tm) =	ssettm $0x1  }
0x92: {  	s4 =	sld [smem:$0x3FFB];
	_ =	sdelay $0x3  }
0x93: {  	_ =	strace s4  }
0x94: {  	s4 =	sld [smem:$0x3FFC];
	_ =	sdelay $0x3  }
0x95: {  	_ =	strace s4  }
0x96: {  	s4 =	sld [smem:$0x3FFD];
	_ =	sdelay $0x3  }
0x97: {  	_ =	strace s4  }
0x98: {  	_ =	strace $0x8FFFFFFF  }
0x99: {  	s19 =	sld [smem:$0x3FDB];
	_ =	sdelay $0x1  }
0x9a: {  	s5 =	simm.s32 $_scs_section_size  }
0x9b: {  	s6 =	simm.s32 $_size__tile_overlayer_lowered;
	s7 =	simm.s32 $_tile_overlayer_lowered  }
0x9c: {  	s22 =	simm.s32 $0x1BFF;
	s21 =	sshll.u32 s7, $0x1;
	s4 =	sadd.s32 s5, s19  }
0x9d: {  	s8 =	simm.s32 $0x0;
	s20 =	sshll.u32 s6, $0x1;
	s6 =	sadd.s32 s21, s4  }
0x9e: {  	[timem:s8], [sflag:s22] =	dma.local [hbm:s6], s20  }
0x9f: {  	_ =	swait.ge [sflag:s22], s20  }
0xa0: {  	s5 =	ssub.s32 $0x0, s20;
	[sflag:s22] =	ssyncset.done $0x0  }
0xa1: {  	[sflag:s22] =	ssyncadd.s32 s5;
	_ =	sdelay $0x1  }
0xa2: {  	s23 =	simm.s32 $0x1B8B  }
0xa3: {  	_ =	swait.ge [sflag:s23], $0x1  }
0xa4: {  	[sflag:s23] =	ssyncset.done $0x0  }
0xa5: {  	s25 =	simm.s32 $0x1B8E;
	s24 =	sld [smem:$0x3FFE];
	[sflag:s23] =	ssyncadd.s32 $0xFFFFFFFF  }
0xa6: {  	s26 =	simm.s32 $execute0_lowered;
	[smem:$0x3FD2] =	sst s25  }
0xa7: {  	s6 =	sshll.u32 s26, $0x1;
	_ =	strace $0x80000046;
	[dreg:$0x1] =	wrdreg $0xFFFFFFFF  }
0xa8: {  	s28 =	simm.s32 $_size_execute0_lowered;
	s4 =	sadd.s32 s4, s6;
	[dreg:$0x0] =	wrdreg $0x0  }
0xa9: {  	s6 =	sshll.u32 s28, $0x1;
	[dreg:$0x2] =	wrdreg s4  }
0xaa: {  	[dreg:$0x3] =	wrdreg s6  }
0xab: {  	[dreg:$0x4] =	wrdreg $0xC0  }
0xac: {  	_ =	task [dreg:s8], $0x5FFFF  }
0xad: {  	[dreg:$0x1] =	wrdreg $0xFFFFFFFF  }
0xae: {  	[dreg:$0x0] =	wrdreg $0x60  }
0xaf: {  	[dreg:$0x2] =	wrdreg s2  }
0xb0: {  	[dreg:$0x3] =	wrdreg s18  }
0xb1: {  	[dreg:$0x4] =	wrdreg s24  }
0xb2: {  	[dreg:$0x5] =	wrdreg $0x9  }
0xb3: {  	_ =	task.clear_ibuf [dreg:s8], $0x6FFFF;
	_ =	strace $0x90000046  }
0xb4: {  	s29 =	simm.s32 $0x9;
	_ =	strace $0x80000048  }
0xb5: {  	_ =	swait.ge [sflag:s29], $0x1  }
0xb6: {  	[sflag:s29] =	ssyncadd.s32 $0xFFFFFFFF  }
0xb7: {  	_ =	strace $0x90000048  }
0xb8: {  	_ =	sfence  }
0xb9: {  	s30 =	sld [smem:$0x0];
	_ =	sdelay $0x2  }
0xba: {  	s31 =	sshll.u32 s1, $0xD;
	s1 =	sshrl.u32 s1, $0x2  }
0xbb: {  	s3 =	sand.u32 $0x4000, s31;
	s1 =	sadd.s32 s1, s30  }
0xbc: {  	s0 =	sor.u32 s3, s0;
	s1 =	sshll.u32 s1, $0x11  }
0xbd: {  	s0 =	sor.u32 s1, s0  }
0xbe: {  	s0 =	sadd.s32 $0x8F2B, s0  }
0xbf: {  	[sflag:s0] =	ssyncadd.remote.s32 $0x1  }
0xc0: {  	_ =	sfence.sel $0xFFFF  }
0xc1: {  	[dreg:$0x0] =	wrdreg $0xFFFFFFFF;
	(pc) =	sbr.abs _section_cstart, $3  }
0xc2: {  	[dreg:$0x1] =	wrdreg $0xFFFFFFFF  }
0xc3: {  	_ =	task.clear_ibuf [dreg:s8], $0x2FFFF;
	_ =	strace $0x9FFFFFFF  }
0xc4: {  	(tm) =	ssettm $0x7FFFFFFF  }
0xc5: {  	_ =	shalt  }
tec
execute0_lowered:
.L_overlay_start_1:
0x0: {  	(tag) =	ssettag $0x1  }
0x1: {  	s9 =	rddreg [dreg:$0x0]  }
0x2: {  	s3 =	stileid.u32;
	s10 =	rddreg [dreg:$0x1]  }
0x3: {  	s0 =	srdreg.scid;
	s2 =	rddreg [dreg:$0x2]  }
0x4: {  	s4 =	simm.s32 $0x0;
	s18 =	simm.s32 $0x1;
	s19 =	simm.s32 $0x3  }
0x5: {  	s1 =	sshll.u32 s3, $0x1;
	s0 =	sand.u32 $0x1, s0;
	s3 =	sshrl.u32 s3, $0x3  }
0x6: {  	[smem:$0x7FF] =	sst s4;
	s11 =	sadd.s32 $0x400, s2;
	s1 =	sand.u32 $0xE, s1  }
0x7: {  	s5 =	sshll.u32 s3, $0x18;
	_ =	strace $0x80000047;
	s29 =	sshll.u32 s3, $0x12  }
0x8: {  	s3 =	sshll.u32 s3, $0x15;
	s1 =	sor.u32 s0, s1;
	s0 =	ssub.s32 $0x2, s0  }
0x9: {  	[dreg:$0x4] =	wrdreg s11;
	s6 =	sshll.u32 s1, $0x11;
	s7 =	sshrl.u32 s0, $0x1  }
0xa: {  	s1 =	sshll.u32 s1, $0xE;
	s5 =	sor.u32 s5, s6;
	s3 =	sor.u32 s3, s6  }
0xb: {  	s0 =	ssub.s32 s0, s7;
	[dreg:$0x9] =	wrdreg s3;
	s30 =	sor.u32 $0xE08000, s5  }
0xc: {  	s8 =	sshrl.u32 s5, $0x3;
	s31 =	sor.u32 $0xE0C000, s5;
	[dreg:$0xa] =	wrdreg s30  }
0xd: {  	s0 =	smax.u32 s0, $0x1;
	s24 =	sor.u32 $0x1C0000, s8;
	[dreg:$0xc] =	wrdreg s31  }
0xe: {  	s26 =	sor.u32 $0x1C0800, s8;
	[dreg:$0xd] =	wrdreg s0;
	s25 =	sadd.s32 s9, s24  }
.Ltmp0:
0xf: {  	s2 =	sadd.s32 s10, s24;
	[dreg:$0x5] =	wrdreg s25;
	(pc) =	sbr.rel .LBB2_1-.Ltmp0, $4  }
0x10: {  	s28 =	sadd.s32 s9, s26;
	[dreg:$0x6] =	wrdreg s2;
	s2 =	sadd.s32 s29, s11  }
0x11: {  	s7 =	sadd.s32 s10, s26;
	[dreg:$0x7] =	wrdreg s28;
	s1 =	sadd.s32 s1, s2  }
0x12: {  	s21 =	simm.s32 $0x2;
	[dreg:$0x8] =	wrdreg s7;
	s1 =	sadd.s32 $0x800, s1  }
0x13: {  	s22 =	simm.s32 $0x4;
	s2 =	simm.s32 $0x0;
	[dreg:$0xb] =	wrdreg s1  }
.LBB2_8:
0x14: {  	s0 =	simm.s32 $0x5  }
0x15: {  	_ =	swait.ge [sflag:s0], $0x4000  }
0x16: {  	[sflag:s0] =	ssyncset.done $0x0  }
0x17: {  	s1 =	simm.s32 $0x6;
	[sflag:s0] =	ssyncadd.s32 $0xFFFFC000  }
0x18: {  	_ =	swait.ge [sflag:s1], $0x4000  }
0x19: {  	s2 =	rddreg [dreg:$0xe]  }
0x1a: {  	s31 =	rddreg [dreg:$0xd];
	s2 =	sadd.s32 $0x1, s2  }
0x1b: {  	p0 =	sne.s32 s2, s31  }
.Ltmp1:
0x1c: {  	_ = 	snop;
	(pc) =	sbr.rel @!p0 .LBB2_9-.Ltmp1, $3  }
0x1d: {  	_ =	sdelay $0x1  }
0x1e: {  	[sflag:s1] =	ssyncset.done $0x0  }
0x1f: {  	[sflag:s1] =	ssyncadd.s32 $0xFFFFC000  }
.LBB2_1:
0x20: {  	[dreg:$0xe] =	wrdreg s2  }
0x21: {  	s0 =	rddreg [dreg:$0x5]  }
0x22: {  	[tilespmem:s4], [sflag:$0x1] =	stream.linear.gather [hbm4b:s0+s4], $0x4000, $0x38;
	[tilespmem:$0x18000] =	vst v63  }
0x23: {  	s25 =	rddreg [dreg:$0x6];
	s1 =	simm.s32 $0x8000  }
0x24: {  	[tilespmem:s1], [sflag:$0x3] =	stream.linear.gather [hbm4b:s25+s4], $0x4000, $0x38;
	[tilespmem:$0x18000] =	vst v63  }
0x25: {  	s26 =	rddreg [dreg:$0x7];
	s29 =	simm.s32 $0x4000  }
0x26: {  	[tilespmem:s29], [sflag:$0x2] =	stream.linear.gather [hbm4b:s26+s4], $0x4000, $0x38;
	[tilespmem:$0x18000] =	vst v63  }
0x27: {  	s30 =	rddreg [dreg:$0x8];
	s31 =	simm.s32 $0xC000;
	s28 =	simm.s32 $0x0  }
0x28: {  	[tilespmem:s31], [sflag:$0x4] =	stream.linear.gather [hbm4b:s30+s4], $0x4000, $0x38;
	[tilespmem:$0x18000] =	vst v63  }
.LBB2_2:
0x29: {  	_ =	swait.ge [sflag:s18], $0x4000  }
0x2a: {  	[sflag:s18] =	ssyncset.done $0x0  }
0x2b: {  	[sflag:s18] =	ssyncadd.s32 $0xFFFFC000  }
0x2c: {  	_ =	swait.ge [sflag:s19], $0x4000  }
0x2d: {  	p0 =	seq.s32 s28, $0x0;
	[sflag:s19] =	ssyncset.done $0x0  }
0x2e: {  	s0 =	simm.s32 @!p0 $0x5;
	[sflag:s19] =	ssyncadd.s32 $0xFFFFC000  }
0x2f: {  	s1 =	simm.s32 $0x0;
	_ =	swait.ge @!p0 [sflag:s0], $0x4000  }
0x30: {  	s2 =	sand.u32 $0x40, s1;
	s1 =	sand.u32 $0x3C00, s1;
	[sflag:s0] =	ssyncset.done @!p0 $0x0  }
0x31: {  	s1 =	sor.u32 s2, s1;
	[sflag:s0] =	ssyncadd.s32 @!p0 $0xFFFFC000  }
0x32: {  	v0 =	vld [tilespmem:s1+$0x8030]  }
0x33: {  	v1 =	vld [tilespmem:s1+$0x80B0]  }
0x34: {  	v2 =	vld [tilespmem:s1+$0x30]  }
0x35: {  	v3 =	vld [tilespmem:s1+$0xB0]  }
0x36: {  	v4 =	vld [tilespmem:s1+$0x130]  }
0x37: {  	v5 =	vld [tilespmem:s1+$0x1B0]  }
0x38: {  	v6 =	vld [tilespmem:s1+$0x8130]  }
0x39: {  	v7 =	vld [tilespmem:s1+$0x81B0]  }
0x3a: {  	v8 =	vld [tilespmem:s1+$0x0]  }
0x3b: {  	v9 =	vld [tilespmem:s1+$0x80]  }
0x3c: {  	v10 =	vld [tilespmem:s1+$0x20]  }
0x3d: {  	v11 =	vld [tilespmem:s1+$0xA0];
	vm0 =	veq.f32 v2, $1.000000000e+00  }
0x3e: {  	v12 =	vld [tilespmem:s1+$0x120];
	v2 =	vsel vm0, $0x0, v2;
	vm0 =	veq.f32 v3, $1.000000000e+00  }
0x3f: {  	p1 =	por $0x0, $0x0;
	s0 =	simm.s32 $0x1;
	v14 =	vld [tilespmem:s1+$0x8000];
	v0 =	vadd.f32 v2, v0;
	v2 =	vsel vm0, $0x0, v3;
	vm0 =	veq.f32 v4, $1.000000000e+00  }
0x40: {  	s0 =	simm.s32 @!p1 $0x0;
	v15 =	vld [tilespmem:s1+$0x8080];
	v1 =	vadd.f32 v2, v1;
	v2 =	vsel vm0, $0x0, v4;
	vm0 =	veq.f32 v5, $1.000000000e+00  }
0x41: {  	v16 =	vld [tilespmem:s1+$0x8100];
	s0 =	sshll.u32 s0, $0x6;
	[tilespmem:s1+$0x10030] =	vst v0;
	v0 =	vadd.f32 v2, v6;
	v2 =	vsel vm0, $0x0, v5  }
0x42: {  	v17 =	vld [tilespmem:s1+$0x8180];
	s0 =	sadd.s32 $0x0, s0;
	[tilespmem:s1+$0x100B0] =	vst v1;
	v1 =	vadd.f32 v2, v7  }
0x43: {  	v38 =	vld [tilespmem:s1+$0x8090];
	s3 =	sadd.s32 $0x30, s0;
	[tilespmem:s1+$0x10130] =	vst v0  }
0x44: {  	s15 =	sor.u32 $0x200, s3;
	v3 =	vld [tilespmem:s1+$0x100];
	[tilespmem:s1+$0x101B0] =	vst v1  }
0x45: {  	v1 =	vld [tilespmem:s15+$0x0]  }
0x46: {  	v4 =	vld [tilespmem:s1+$0x180]  }
0x47: {  	v7 =	vld [tilespmem:s15+$0x8000]  }
0x48: {  	v5 =	vld [tilespmem:s1+$0x10]  }
0x49: {  	vm1 =	veq.f32 v8, $1.000000000e+00;
	v6 =	vld [tilespmem:s1+$0x190]  }
0x4a: {  	v8 =	vsel vm1, $0x0, v8;
	v2 =	vld [tilespmem:s1+$0x90];
	vm0 =	veq.f32 v1, $1.000000000e+00  }
0x4b: {  	v8 =	vadd.f32 v8, v14;
	v0 =	vld [tilespmem:s1+$0x110];
	v1 =	vsel vm0, $0x0, v1  }
0x4c: {  	vm0 =	veq.f32 v9, $1.000000000e+00;
	v1 =	vadd.f32 v1, v7;
	v7 =	vld [tilespmem:s1+$0x8010]  }
0x4d: {  	[tilespmem:s1+$0x10000] =	vst v8;
	v8 =	vld [tilespmem:s1+$0x8190];
	v9 =	vsel vm0, $0x0, v9;
	vm0 =	veq.f32 v3, $1.000000000e+00  }
0x4e: {  	s5 =	sor.u32 $0x280, s3;
	v3 =	vsel vm0, $0x0, v3;
	vm0 =	veq.f32 v4, $1.000000000e+00;
	[tilespmem:s15+$0x10000] =	vst v1;
	v1 =	vadd.f32 v9, v15;
	v9 =	vld [tilespmem:s1+$0x8110]  }
0x4f: {  	v4 =	vsel vm0, $0x0, v4;
	vm0 =	veq.f32 v5, $1.000000000e+00;
	v3 =	vadd.f32 v3, v16;
	v39 =	vld [tilespmem:s5+$0x0]  }
0x50: {  	v13 =	vld [tilespmem:s1+$0x1A0];
	v5 =	vsel vm0, $0x0, v5;
	vm0 =	veq.f32 v2, $1.000000000e+00;
	[tilespmem:s1+$0x10080] =	vst v1;
	v1 =	vadd.f32 v4, v17  }
0x51: {  	v2 =	vsel vm0, $0x0, v2;
	vm0 =	veq.f32 v0, $1.000000000e+00;
	v4 =	vld [tilespmem:s5+$0x8000];
	[tilespmem:s1+$0x10100] =	vst v3;
	v3 =	vadd.f32 v5, v7  }
0x52: {  	v0 =	vsel vm0, $0x0, v0;
	vm0 =	veq.f32 v6, $1.000000000e+00;
	v5 =	vld [tilespmem:s1+$0x8020];
	[tilespmem:s1+$0x10180] =	vst v1;
	v1 =	vadd.f32 v2, v38  }
0x53: {  	v2 =	vsel vm0, $0x0, v6;
	v6 =	vld [tilespmem:s1+$0x80A0];
	[tilespmem:s1+$0x10010] =	vst v3;
	v0 =	vadd.f32 v0, v9  }
0x54: {  	v3 =	vld [tilespmem:s1+$0x8120];
	[tilespmem:s1+$0x10090] =	vst v1;
	v1 =	vadd.f32 v2, v8;
	vm0 =	veq.f32 v39, $1.000000000e+00  }
0x55: {  	s2 =	sadd.s32 $0x10, s0;
	s7 =	sor.u32 $0x200, s0;
	vm1 =	veq.f32 v10, $1.000000000e+00;
	v2 =	vld [tilespmem:s1+$0x81A0];
	[tilespmem:s1+$0x10110] =	vst v0;
	v0 =	vsel vm0, $0x0, v39  }
0x56: {  	s8 =	sor.u32 $0x200, s2;
	v7 =	vld [tilespmem:s7+$0x0];
	vm0 =	veq.f32 v11, $1.000000000e+00;
	[tilespmem:s1+$0x10190] =	vst v1;
	v1 =	vsel vm1, $0x0, v10;
	v0 =	vadd.f32 v0, v4  }
0x57: {  	v8 =	vsel vm0, $0x0, v11;
	vm0 =	veq.f32 v12, $1.000000000e+00;
	v4 =	vld [tilespmem:s8+$0x0];
	v1 =	vadd.f32 v1, v5  }
0x58: {  	v5 =	vld [tilespmem:s7+$0x8000];
	v9 =	vsel vm0, $0x0, v12;
	vm0 =	veq.f32 v13, $1.000000000e+00;
	[tilespmem:s5+$0x10000] =	vst v0;
	v0 =	vadd.f32 v8, v6  }
0x59: {  	v8 =	vsel vm0, $0x0, v13;
	[tilespmem:s1+$0x10020] =	vst v1;
	v1 =	vadd.f32 v9, v3  }
0x5a: {  	s16 =	sor.u32 $0x300, s3;
	v6 =	vld [tilespmem:s8+$0x8000];
	[tilespmem:s1+$0x100A0] =	vst v0;
	v0 =	vadd.f32 v8, v2  }
0x5b: {  	s6 =	sadd.s32 $0x20, s0;
	vm0 =	veq.f32 v7, $1.000000000e+00;
	v3 =	vld [tilespmem:s16+$0x8000];
	[tilespmem:s1+$0x10120] =	vst v1  }
0x5c: {  	s23 =	simm.s32 $0x200;
	s24 =	simm.s32 $0x40;
	s9 =	sor.u32 $0x200, s6;
	v2 =	vld [tilespmem:s16+$0x0];
	v1 =	vsel vm0, $0x0, v7;
	vm0 =	veq.f32 v4, $1.000000000e+00;
	[tilespmem:s1+$0x101A0] =	vst v0  }
0x5d: {  	s5 =	sand.u32 $0x40, s24;
	v0 =	vadd.f32 v1, v5;
	s1 =	sand.u32 $0x3C00, s23;
	v1 =	vsel vm0, $0x0, v4;
	v4 =	vld [tilespmem:s9+$0x0]  }
0x5e: {  	v5 =	vld [tilespmem:s9+$0x8000];
	s1 =	sor.u32 s5, s1  }
0x5f: {  	v8 =	vld [tilespmem:s1+$0x8030]  }
0x60: {  	v9 =	vld [tilespmem:s1+$0x80B0]  }
0x61: {  	v10 =	vld [tilespmem:s1+$0x30]  }
0x62: {  	v11 =	vld [tilespmem:s1+$0xB0]  }
0x63: {  	v40 =	vld [tilespmem:s1+$0x130]  }
0x64: {  	v41 =	vld [tilespmem:s1+$0x1B0]  }
0x65: {  	v42 =	vld [tilespmem:s1+$0x8130]  }
0x66: {  	v43 =	vld [tilespmem:s1+$0x81B0]  }
0x67: {  	v44 =	vld [tilespmem:s1+$0x0]  }
0x68: {  	v45 =	vld [tilespmem:s1+$0x80]  }
0x69: {  	v1 =	vadd.f32 v1, v6;
	v46 =	vld [tilespmem:s1+$0x180]  }
0x6a: {  	s17 =	sor.u32 $0x280, s0;
	[tilespmem:s7+$0x10000] =	vst v0;
	v47 =	vld [tilespmem:s1+$0x10]  }
0x6b: {  	s13 =	sor.u32 $0x280, s2;
	v0 =	vld [tilespmem:s17+$0x0];
	[tilespmem:s8+$0x10000] =	vst v1  }
0x6c: {  	v6 =	vld [tilespmem:s13+$0x0]  }
0x6d: {  	v48 =	vld [tilespmem:s1+$0x190];
	vm0 =	veq.f32 v2, $1.000000000e+00  }
0x6e: {  	v18 =	vld [tilespmem:s1+$0x20];
	v1 =	vsel vm0, $0x0, v2;
	vm0 =	veq.f32 v4, $1.000000000e+00  }
0x6f: {  	v19 =	vld [tilespmem:s1+$0xA0];
	v4 =	vsel vm0, $0x0, v4  }
0x70: {  	v20 =	vld [tilespmem:s1+$0x120];
	v4 =	vadd.f32 v4, v5;
	vm0 =	veq.f32 v0, $1.000000000e+00  }
0x71: {  	v21 =	vld [tilespmem:s1+$0x1A0];
	v5 =	vsel vm0, $0x0, v0;
	vm0 =	veq.f32 v6, $1.000000000e+00  }
0x72: {  	v22 =	vld [tilespmem:s1+$0x8000];
	[tilespmem:s9+$0x10000] =	vst v4;
	v4 =	vsel vm0, $0x0, v6;
	vm0 =	veq.f32 v10, $1.000000000e+00  }
0x73: {  	v50 =	vld [tilespmem:s1+$0x8080];
	v1 =	vadd.f32 v1, v3;
	v10 =	vsel vm0, $0x0, v10;
	vm0 =	veq.f32 v11, $1.000000000e+00  }
0x74: {  	p1 =	por !p1, !p1;
	s5 =	simm.s32 $0x1;
	v23 =	vld [tilespmem:s1+$0x8100];
	v8 =	vadd.f32 v10, v8;
	v10 =	vsel vm0, $0x0, v11;
	vm0 =	veq.f32 v40, $1.000000000e+00  }
0x75: {  	s5 =	simm.s32 @!p1 $0x0;
	v24 =	vld [tilespmem:s1+$0x8180];
	[tilespmem:s16+$0x10000] =	vst v1;
	v9 =	vadd.f32 v10, v9;
	v10 =	vsel vm0, $0x0, v40;
	vm0 =	veq.f32 v41, $1.000000000e+00  }
0x76: {  	v51 =	vld [tilespmem:s1+$0x8010];
	s5 =	sshll.u32 s5, $0x6;
	[tilespmem:s1+$0x10030] =	vst v8;
	v8 =	vadd.f32 v10, v42;
	v10 =	vsel vm0, $0x0, v41  }
0x77: {  	v52 =	vld [tilespmem:s1+$0x8090];
	s16 =	sadd.s32 $0x200, s5;
	[tilespmem:s1+$0x100B0] =	vst v9;
	v9 =	vadd.f32 v10, v43  }
0x78: {  	v53 =	vld [tilespmem:s1+$0x8110];
	s5 =	sadd.s32 $0x30, s16;
	[tilespmem:s1+$0x10130] =	vst v8  }
0x79: {  	v54 =	vld [tilespmem:s1+$0x8190];
	s25 =	sor.u32 $0x200, s5;
	[tilespmem:s1+$0x101B0] =	vst v9  }
0x7a: {  	v9 =	vld [tilespmem:s25+$0x0]  }
0x7b: {  	v55 =	vld [tilespmem:s1+$0x8020]  }
0x7c: {  	v49 =	vld [tilespmem:s25+$0x8000]  }
0x7d: {  	v56 =	vld [tilespmem:s1+$0x80A0]  }
0x7e: {  	v2 =	vld [tilespmem:s17+$0x8000]  }
0x7f: {  	s7 =	sor.u32 $0x380, s3;
	v3 =	vld [tilespmem:s13+$0x8000];
	vm0 =	veq.f32 v9, $1.000000000e+00  }
0x80: {  	v1 =	vld [tilespmem:s7+$0x0];
	v9 =	vsel vm0, $0x0, v9  }
0x81: {  	v0 =	vld [tilespmem:s7+$0x8000];
	v9 =	vadd.f32 v9, v49  }
0x82: {  	s20 =	sor.u32 $0x280, s6;
	v11 =	vld [tilespmem:s1+$0x100]  }
0x83: {  	s26 =	sor.u32 $0x280, s5;
	v6 =	vld [tilespmem:s20+$0x0];
	[tilespmem:s25+$0x10000] =	vst v9  }
0x84: {  	v9 =	vld [tilespmem:s26+$0x0]  }
0x85: {  	v2 =	vadd.f32 v5, v2;
	v10 =	vld [tilespmem:s1+$0x90];
	vm0 =	veq.f32 v44, $1.000000000e+00  }
0x86: {  	v3 =	vadd.f32 v4, v3;
	v16 =	vsel vm0, $0x0, v44;
	vm0 =	veq.f32 v45, $1.000000000e+00;
	v25 =	vld [tilespmem:s26+$0x8000]  }
0x87: {  	[tilespmem:s17+$0x10000] =	vst v2;
	v8 =	vld [tilespmem:s1+$0x110];
	v17 =	vsel vm0, $0x0, v45;
	vm0 =	veq.f32 v11, $1.000000000e+00;
	v16 =	vadd.f32 v16, v22  }
0x88: {  	s9 =	sor.u32 $0x300, s0;
	v7 =	vld [tilespmem:s20+$0x8000];
	[tilespmem:s13+$0x10000] =	vst v3;
	v11 =	vsel vm0, $0x0, v11;
	vm0 =	veq.f32 v46, $1.000000000e+00;
	v15 =	vadd.f32 v17, v50  }
0x89: {  	v4 =	vld [tilespmem:s9+$0x0];
	[tilespmem:s1+$0x10000] =	vst v16;
	v12 =	vsel vm0, $0x0, v46;
	v11 =	vadd.f32 v11, v23;
	vm0 =	veq.f32 v9, $1.000000000e+00  }
0x8a: {  	s8 =	sor.u32 $0x300, s2;
	vm1 =	veq.f32 v47, $1.000000000e+00;
	v5 =	vld [tilespmem:s9+$0x8000];
	[tilespmem:s1+$0x10080] =	vst v15;
	v12 =	vadd.f32 v12, v24;
	v9 =	vsel vm0, $0x0, v9  }
0x8b: {  	v2 =	vld [tilespmem:s8+$0x0];
	[tilespmem:s1+$0x10100] =	vst v11;
	v11 =	vsel vm1, $0x0, v47;
	vm0 =	veq.f32 v10, $1.000000000e+00;
	v9 =	vadd.f32 v9, v25  }
0x8c: {  	v3 =	vld [tilespmem:s8+$0x8000];
	[tilespmem:s1+$0x10180] =	vst v12;
	v11 =	vadd.f32 v11, v51;
	v10 =	vsel vm0, $0x0, v10;
	vm0 =	veq.f32 v8, $1.000000000e+00  }
0x8d: {  	s14 =	sor.u32 $0x300, s5;
	v10 =	vadd.f32 v10, v52;
	v8 =	vsel vm0, $0x0, v8;
	vm0 =	veq.f32 v48, $1.000000000e+00;
	[tilespmem:s26+$0x10000] =	vst v9;
	v9 =	vld [tilespmem:s1+$0x8120]  }
0x8e: {  	[tilespmem:s1+$0x10010] =	vst v11;
	v11 =	vsel vm0, $0x0, v48;
	vm0 =	veq.f32 v6, $1.000000000e+00;
	v8 =	vadd.f32 v8, v53;
	v57 =	vld [tilespmem:s14+$0x0]  }
0x8f: {  	[tilespmem:s1+$0x10090] =	vst v10;
	v6 =	vsel vm0, $0x0, v6;
	vm0 =	veq.f32 v18, $1.000000000e+00;
	v10 =	vadd.f32 v11, v54;
	v11 =	vld [tilespmem:s1+$0x81A0]  }
0x90: {  	s10 =	sadd.s32 $0x10, s16;
	s15 =	sor.u32 $0x200, s16;
	v6 =	vadd.f32 v6, v7;
	v7 =	vsel vm0, $0x0, v18;
	vm0 =	veq.f32 v19, $1.000000000e+00;
	[tilespmem:s1+$0x10110] =	vst v8;
	v8 =	vld [tilespmem:s14+$0x8000]  }
0x91: {  	s17 =	sor.u32 $0x200, s10;
	v7 =	vadd.f32 v7, v55;
	v58 =	vsel vm0, $0x0, v19;
	vm0 =	veq.f32 v20, $1.000000000e+00;
	[tilespmem:s1+$0x10190] =	vst v10;
	v10 =	vld [tilespmem:s15+$0x0]  }
0x92: {  	[tilespmem:s20+$0x10000] =	vst v6;
	v6 =	vsel vm0, $0x0, v20;
	vm0 =	veq.f32 v21, $1.000000000e+00;
	v12 =	vadd.f32 v58, v56;
	v59 =	vld [tilespmem:s17+$0x0]  }
0x93: {  	v60 =	vsel vm0, $0x0, v21;
	[tilespmem:s1+$0x10020] =	vst v7;
	v6 =	vadd.f32 v6, v9;
	v7 =	vld [tilespmem:s15+$0x8000];
	vm0 =	veq.f32 v57, $1.000000000e+00  }
0x94: {  	s20 =	sor.u32 $0x300, s6;
	v9 =	vld [tilespmem:s17+$0x8000];
	[tilespmem:s1+$0x100A0] =	vst v12;
	v11 =	vadd.f32 v60, v11;
	v61 =	vsel vm0, $0x0, v57  }
0x95: {  	s11 =	sadd.s32 $0x20, s16;
	[tilespmem:s1+$0x10120] =	vst v6;
	v6 =	vadd.f32 v61, v8;
	v8 =	vld [tilespmem:s20+$0x0]  }
0x96: {  	s23 =	sor.u32 $0x200, s11;
	vm0 =	veq.f32 v10, $1.000000000e+00;
	[tilespmem:s1+$0x101A0] =	vst v11;
	v11 =	vld [tilespmem:s20+$0x8000]  }
0x97: {  	s12 =	sor.u32 $0x380, s5;
	v10 =	vsel vm0, $0x0, v10;
	vm0 =	veq.f32 v59, $1.000000000e+00;
	v62 =	vld [tilespmem:s23+$0x0];
	[tilespmem:s14+$0x10000] =	vst v6  }
0x98: {  	v6 =	vadd.f32 v10, v7;
	v7 =	vsel vm0, $0x0, v59;
	v10 =	vld [tilespmem:s12+$0x0]  }
0x99: {  	v7 =	vadd.f32 v7, v9;
	v9 =	vld [tilespmem:s23+$0x8000]  }
0x9a: {  	vm0 =	veq.f32 v4, $1.000000000e+00;
	s14 =	sor.u32 $0x280, s16;
	[tilespmem:s15+$0x10000] =	vst v6;
	v6 =	vld [tilespmem:s12+$0x8000]  }
0x9b: {  	s26 =	sor.u32 $0x280, s10;
	v4 =	vsel vm0, $0x0, v4;
	vm0 =	veq.f32 v2, $1.000000000e+00;
	v63 =	vld [tilespmem:s14+$0x0];
	[tilespmem:s17+$0x10000] =	vst v7  }
0x9c: {  	v4 =	vadd.f32 v4, v5;
	v2 =	vsel vm0, $0x0, v2;
	v5 =	vld [tilespmem:s26+$0x0];
	vm0 =	veq.f32 v62, $1.000000000e+00  }
0x9d: {  	v2 =	vadd.f32 v2, v3;
	v3 =	vld [tilespmem:s14+$0x8000];
	v7 =	vsel vm0, $0x0, v62  }
0x9e: {  	s30 =	sor.u32 $0x380, s0;
	[tilespmem:s9+$0x10000] =	vst v4;
	v4 =	vld [tilespmem:s26+$0x8000];
	vm0 =	veq.f32 v8, $1.000000000e+00;
	v7 =	vadd.f32 v7, v9  }
0x9f: {  	s31 =	sor.u32 $0x380, s2;
	[tilespmem:s8+$0x10000] =	vst v2;
	v2 =	vsel vm0, $0x0, v8;
	v8 =	vld [tilespmem:s30+$0x0]  }
0xa0: {  	s25 =	sor.u32 $0x280, s11;
	v2 =	vadd.f32 v2, v11;
	vm0 =	veq.f32 v63, $1.000000000e+00;
	[tilespmem:s23+$0x10000] =	vst v7;
	v7 =	vld [tilespmem:s31+$0x0]  }
0xa1: {  	v9 =	vsel vm0, $0x0, v63;
	vm0 =	veq.f32 v5, $1.000000000e+00;
	v11 =	vld [tilespmem:s25+$0x0]  }
0xa2: {  	s2 =	sor.u32 $0x380, s6;
	[tilespmem:s20+$0x10000] =	vst v2;
	v3 =	vadd.f32 v9, v3;
	v2 =	vsel vm0, $0x0, v5;
	v9 =	vld [tilespmem:s25+$0x8000]  }
0xa3: {  	vm0 =	veq.f32 v1, $1.000000000e+00;
	v4 =	vadd.f32 v2, v4;
	v2 =	vld [tilespmem:s2+$0x0]  }
0xa4: {  	s24 =	sor.u32 $0x300, s16;
	v5 =	vsel vm0, $0x0, v1;
	vm0 =	veq.f32 v10, $1.000000000e+00;
	v1 =	vld [tilespmem:s30+$0x8000];
	[tilespmem:s14+$0x10000] =	vst v3  }
0xa5: {  	v0 =	vadd.f32 v5, v0;
	s14 =	sor.u32 $0x300, s10;
	v5 =	vsel vm0, $0x0, v10;
	v3 =	vld [tilespmem:s24+$0x0];
	[tilespmem:s26+$0x10000] =	vst v4  }
0xa6: {  	s29 =	sshll.u32 s28, $0xF;
	s0 =	sor.u32 $0x300, s11;
	vm0 =	veq.f32 v8, $1.000000000e+00;
	v10 =	vadd.f32 v5, v6;
	v4 =	vld [tilespmem:s14+$0x0];
	vm1 =	veq.f32 v11, $1.000000000e+00  }
0xa7: {  	s6 =	simm.s32 $0x400;
	s15 =	simm.s32 $0x4;
	s9 =	sor.u32 $0x380, s10;
	v5 =	vsel vm0, $0x0, v8;
	vm0 =	veq.f32 v7, $1.000000000e+00;
	v6 =	vld [tilespmem:s24+$0x8000];
	[tilespmem:s7+$0x10000] =	vst v0;
	v8 =	vsel vm1, $0x0, v11  }
0xa8: {  	s8 =	sor.u32 $0x380, s11;
	s26 =	sor.u32 $0x380, s16;
	v0 =	vsel vm0, $0x0, v7;
	v7 =	vld [tilespmem:s14+$0x8000];
	s7 =	simm.s32 $0x80;
	[tilespmem:s12+$0x10000] =	vst v10;
	v8 =	vadd.f32 v8, v9;
	vm0 =	veq.f32 v2, $1.000000000e+00  }
.LBB2_3:
0xa9: {  	s1 =	sand.u32 $0x40, s7;
	s3 =	sand.u32 $0x3C00, s6;
	v1 =	vadd.f32 v5, v1;
	v5 =	vld [tilespmem:s31+$0x8000];
	v2 =	vsel vm0, $0x0, v2  }
0xaa: {  	s16 =	sor.u32 s1, s3;
	vm0 =	veq.f32 v3, $1.000000000e+00;
	[tilespmem:s25+$0x10000] =	vst v8;
	v8 =	vld [tilespmem:s2+$0x8000]  }
0xab: {  	v9 =	vld [tilespmem:s16+$0x8030];
	v3 =	vsel vm0, $0x0, v3;
	vm0 =	veq.f32 v4, $1.000000000e+00;
	[tilespmem:s30+$0x10000] =	vst v1;
	s30 =	smov.u32 s26  }
0xac: {  	v1 =	vld [tilespmem:s16+$0x80B0];
	v3 =	vadd.f32 v3, v6;
	v4 =	vsel vm0, $0x0, v4  }
0xad: {  	v6 =	vld [tilespmem:s16+$0x30];
	v4 =	vadd.f32 v4, v7  }
0xae: {  	s15 =	sadd.s32 $0x4, s15;
	v7 =	vld [tilespmem:s16+$0xB0];
	[tilespmem:s24+$0x10000] =	vst v3;
	v0 =	vadd.f32 v0, v5  }
0xaf: {  	p2 =	slt.u32 s15, $0x7C;
	v3 =	vld [tilespmem:s16+$0x130];
	[tilespmem:s14+$0x10000] =	vst v4;
	v2 =	vadd.f32 v2, v8  }
0xb0: {  	v4 =	vld [tilespmem:s16+$0x1B0];
	[tilespmem:s31+$0x10000] =	vst v0;
	s31 =	smov.u32 s9  }
0xb1: {  	v0 =	vld [tilespmem:s16+$0x8130];
	[tilespmem:s2+$0x10000] =	vst v2;
	s2 =	smov.u32 s8  }
0xb2: {  	vm0 =	veq.f32 v6, $1.000000000e+00;
	v2 =	vld [tilespmem:s16+$0x81B0]  }
0xb3: {  	v5 =	vld [tilespmem:s16+$0x0];
	v6 =	vsel vm0, $0x0, v6;
	vm0 =	veq.f32 v7, $1.000000000e+00  }
0xb4: {  	p1 =	por !p1, !p1;
	s1 =	simm.s32 $0x1;
	v8 =	vld [tilespmem:s16+$0x80];
	v6 =	vadd.f32 v6, v9;
	v7 =	vsel vm0, $0x0, v7;
	vm0 =	veq.f32 v3, $1.000000000e+00  }
0xb5: {  	s1 =	simm.s32 @!p1 $0x0;
	v9 =	vld [tilespmem:s16+$0x100];
	v1 =	vadd.f32 v7, v1;
	v3 =	vsel vm0, $0x0, v3;
	vm0 =	veq.f32 v4, $1.000000000e+00  }
0xb6: {  	s1 =	sshll.u32 s1, $0x6;
	v7 =	vld [tilespmem:s16+$0x180];
	[tilespmem:s16+$0x10030] =	vst v6;
	v0 =	vadd.f32 v3, v0;
	v3 =	vsel vm0, $0x0, v4  }
0xb7: {  	s26 =	sadd.s32 s1, s6;
	v4 =	vld [tilespmem:s16+$0x10];
	[tilespmem:s16+$0x100B0] =	vst v1;
	v1 =	vadd.f32 v3, v2  }
0xb8: {  	s10 =	sadd.s32 $0x20, s26;
	s13 =	sadd.s32 $0x30, s26;
	s8 =	sadd.s32 $0x10, s26;
	vm0 =	veq.f32 v5, $1.000000000e+00;
	v2 =	vld [tilespmem:s16+$0x90];
	[tilespmem:s16+$0x10130] =	vst v0  }
0xb9: {  	s23 =	sor.u32 $0x200, s10;
	s11 =	sor.u32 $0x200, s13;
	s1 =	sor.u32 $0x200, s8;
	v0 =	vsel vm0, $0x0, v5;
	vm0 =	veq.f32 v8, $1.000000000e+00;
	v3 =	vld [tilespmem:s16+$0x110];
	[tilespmem:s16+$0x101B0] =	vst v1  }
0xba: {  	s5 =	sor.u32 $0x200, s26;
	s25 =	sor.u32 $0x280, s10;
	s17 =	sor.u32 $0x280, s8;
	v1 =	vsel vm0, $0x0, v8;
	vm0 =	veq.f32 v9, $1.000000000e+00;
	v5 =	vld [tilespmem:s11+$0x0]  }
0xbb: {  	s20 =	sor.u32 $0x280, s26;
	s3 =	sor.u32 $0x300, s10;
	s14 =	sor.u32 $0x300, s8;
	v6 =	vsel vm0, $0x0, v9;
	vm0 =	veq.f32 v7, $1.000000000e+00;
	v8 =	vld [tilespmem:s16+$0x190]  }
0xbc: {  	s24 =	sor.u32 $0x300, s26;
	s9 =	sor.u32 $0x380, s8;
	s8 =	sor.u32 $0x380, s10;
	v7 =	vsel vm0, $0x0, v7;
	vm0 =	veq.f32 v4, $1.000000000e+00;
	v9 =	vld [tilespmem:s11+$0x8000]  }
0xbd: {  	s26 =	sor.u32 $0x380, s26;
	v4 =	vsel vm0, $0x0, v4;
	vm0 =	veq.f32 v2, $1.000000000e+00;
	v10 =	vld [tilespmem:s16+$0x20]  }
0xbe: {  	v2 =	vsel vm0, $0x0, v2;
	vm0 =	veq.f32 v3, $1.000000000e+00;
	v11 =	vld [tilespmem:s16+$0xA0]  }
0xbf: {  	v3 =	vsel vm0, $0x0, v3;
	v12 =	vld [tilespmem:s16+$0x120];
	vm0 =	veq.f32 v5, $1.000000000e+00  }
0xc0: {  	vm1 =	veq.f32 v8, $1.000000000e+00;
	v13 =	vld [tilespmem:s16+$0x1A0];
	v5 =	vsel vm0, $0x0, v5  }
0xc1: {  	v14 =	vld [tilespmem:s16+$0x8000];
	v8 =	vsel vm1, $0x0, v8;
	v5 =	vadd.f32 v5, v9  }
0xc2: {  	v9 =	vld [tilespmem:s16+$0x8080];
	vm0 =	veq.f32 v10, $1.000000000e+00  }
0xc3: {  	s10 =	sor.u32 $0x280, s13;
	v15 =	vld [tilespmem:s16+$0x8100];
	v10 =	vsel vm0, $0x0, v10;
	vm0 =	veq.f32 v11, $1.000000000e+00;
	[tilespmem:s11+$0x10000] =	vst v5  }
0xc4: {  	v5 =	vsel vm0, $0x0, v11;
	vm0 =	veq.f32 v12, $1.000000000e+00;
	v11 =	vld [tilespmem:s10+$0x0]  }
0xc5: {  	v16 =	vld [tilespmem:s16+$0x8180];
	v12 =	vsel vm0, $0x0, v12;
	vm0 =	veq.f32 v13, $1.000000000e+00  }
0xc6: {  	v0 =	vadd.f32 v0, v14;
	v13 =	vsel vm0, $0x0, v13;
	v14 =	vld [tilespmem:s10+$0x8000]  }
0xc7: {  	v1 =	vadd.f32 v1, v9;
	v9 =	vld [tilespmem:s16+$0x8010]  }
0xc8: {  	[tilespmem:s16+$0x10000] =	vst v0;
	v0 =	vadd.f32 v6, v15;
	v6 =	vld [tilespmem:s16+$0x8090]  }
0xc9: {  	[tilespmem:s16+$0x10080] =	vst v1;
	v1 =	vld [tilespmem:s16+$0x8110];
	vm0 =	veq.f32 v11, $1.000000000e+00  }
0xca: {  	[tilespmem:s16+$0x10100] =	vst v0;
	v0 =	vadd.f32 v7, v16;
	v7 =	vld [tilespmem:s16+$0x8190];
	v11 =	vsel vm0, $0x0, v11  }
0xcb: {  	v15 =	vld [tilespmem:s16+$0x8020];
	v11 =	vadd.f32 v11, v14  }
0xcc: {  	[tilespmem:s16+$0x10180] =	vst v0;
	v0 =	vadd.f32 v4, v9;
	v4 =	vld [tilespmem:s16+$0x80A0]  }
0xcd: {  	v2 =	vadd.f32 v2, v6;
	v6 =	vld [tilespmem:s16+$0x8120];
	[tilespmem:s10+$0x10000] =	vst v11;
	s10 =	sor.u32 $0x300, s13  }
0xce: {  	[tilespmem:s16+$0x10010] =	vst v0;
	v0 =	vadd.f32 v3, v1;
	v1 =	vld [tilespmem:s10+$0x0]  }
0xcf: {  	[tilespmem:s16+$0x10090] =	vst v2;
	v2 =	vadd.f32 v8, v7;
	v3 =	vld [tilespmem:s16+$0x81A0]  }
0xd0: {  	[tilespmem:s16+$0x10110] =	vst v0;
	v0 =	vadd.f32 v10, v15;
	v7 =	vld [tilespmem:s10+$0x8000]  }
0xd1: {  	v8 =	vld [tilespmem:s5+$0x0];
	[tilespmem:s16+$0x10190] =	vst v2;
	v2 =	vadd.f32 v5, v4  }
0xd2: {  	v4 =	vld [tilespmem:s1+$0x0];
	[tilespmem:s16+$0x10020] =	vst v0;
	v0 =	vadd.f32 v12, v6  }
0xd3: {  	v5 =	vld [tilespmem:s5+$0x8000];
	[tilespmem:s16+$0x100A0] =	vst v2;
	vm0 =	veq.f32 v1, $1.000000000e+00  }
0xd4: {  	v2 =	vld [tilespmem:s1+$0x8000];
	[tilespmem:s16+$0x10120] =	vst v0;
	v0 =	vadd.f32 v13, v3;
	v1 =	vsel vm0, $0x0, v1  }
0xd5: {  	v1 =	vadd.f32 v1, v7;
	v3 =	vld [tilespmem:s0+$0x0]  }
0xd6: {  	vm0 =	veq.f32 v8, $1.000000000e+00;
	[tilespmem:s16+$0x101A0] =	vst v0;
	v0 =	vld [tilespmem:s0+$0x8000]  }
0xd7: {  	v6 =	vsel vm0, $0x0, v8;
	vm0 =	veq.f32 v4, $1.000000000e+00;
	v7 =	vld [tilespmem:s23+$0x0];
	[tilespmem:s10+$0x10000] =	vst v1;
	s10 =	sor.u32 $0x380, s13  }
0xd8: {  	v1 =	vadd.f32 v6, v5;
	v4 =	vsel vm0, $0x0, v4;
	v5 =	vld [tilespmem:s10+$0x0]  }
0xd9: {  	v2 =	vadd.f32 v4, v2;
	v4 =	vld [tilespmem:s23+$0x8000]  }
0xda: {  	[tilespmem:s5+$0x10000] =	vst v1;
	v1 =	vld [tilespmem:s10+$0x8000];
	vm0 =	veq.f32 v3, $1.000000000e+00  }
0xdb: {  	v6 =	vld [tilespmem:s20+$0x0];
	[tilespmem:s1+$0x10000] =	vst v2;
	v2 =	vsel vm0, $0x0, v3  }
0xdc: {  	v3 =	vld [tilespmem:s17+$0x0];
	vm0 =	veq.f32 v7, $1.000000000e+00;
	v0 =	vadd.f32 v2, v0  }
0xdd: {  	v2 =	vld [tilespmem:s20+$0x8000];
	v7 =	vsel vm0, $0x0, v7;
	vm0 =	veq.f32 v5, $1.000000000e+00  }
0xde: {  	v8 =	vld [tilespmem:s17+$0x8000];
	v4 =	vadd.f32 v7, v4;
	v5 =	vsel vm0, $0x0, v5;
	[tilespmem:s0+$0x10000] =	vst v0;
	s0 =	smov.u32 s3  }
0xdf: {  	v0 =	vadd.f32 v5, v1;
	v5 =	vld [tilespmem:s30+$0x0]  }
0xe0: {  	vm0 =	veq.f32 v6, $1.000000000e+00;
	[tilespmem:s23+$0x10000] =	vst v4;
	v7 =	vld [tilespmem:s31+$0x0]  }
0xe1: {  	v1 =	vsel vm0, $0x0, v6;
	vm0 =	veq.f32 v3, $1.000000000e+00;
	v9 =	vld [tilespmem:s25+$0x0];
	[tilespmem:s10+$0x10000] =	vst v0  }
0xe2: {  	v0 =	vadd.f32 v1, v2;
	v1 =	vsel vm0, $0x0, v3;
	v10 =	vld [tilespmem:s25+$0x8000]  }
0xe3: {  	v4 =	vadd.f32 v1, v8;
	v2 =	vld [tilespmem:s2+$0x0]  }
.Ltmp2:
0xe4: {  	[tilespmem:s20+$0x10000] =	vst v0;
	v1 =	vld [tilespmem:s30+$0x8000];
	vm0 =	veq.f32 v5, $1.000000000e+00;
	(pc) =	sbr.rel @p2 .LBB2_3-.Ltmp2, $4  }
0xe5: {  	v3 =	vld [tilespmem:s24+$0x0];
	[tilespmem:s17+$0x10000] =	vst v4;
	v5 =	vsel vm0, $0x0, v5;
	vm0 =	veq.f32 v7, $1.000000000e+00  }
0xe6: {  	v4 =	vld [tilespmem:s14+$0x0];
	vm1 =	veq.f32 v9, $1.000000000e+00;
	v0 =	vsel vm0, $0x0, v7  }
0xe7: {  	v6 =	vld [tilespmem:s24+$0x8000];
	v8 =	vsel vm1, $0x0, v9  }
0xe8: {  	s7 =	sadd.s32 $0x40, s7;
	s6 =	sadd.s32 $0x200, s6;
	v7 =	vld [tilespmem:s14+$0x8000];
	v8 =	vadd.f32 v8, v10;
	vm0 =	veq.f32 v2, $1.000000000e+00  }
0xe9: {  	_ = 	snop  }
0xea: {  	[tilespmem:s25+$0x10000] =	vst v8  }
0xeb: {  	v8 =	vld [tilespmem:s0+$0x0]  }
0xec: {  	vm1 =	veq.f32 v3, $1.000000000e+00  }
0xed: {  	v9 =	vld [tilespmem:s0+$0x8000];
	v3 =	vsel vm1, $0x0, v3;
	vm1 =	veq.f32 v4, $1.000000000e+00  }
0xee: {  	v3 =	vadd.f32 v3, v6;
	v4 =	vsel vm1, $0x0, v4  }
0xef: {  	v4 =	vadd.f32 v4, v7  }
0xf0: {  	v6 =	vld [tilespmem:s31+$0x8000];
	[tilespmem:s24+$0x10000] =	vst v3;
	vm1 =	veq.f32 v8, $1.000000000e+00  }
0xf1: {  	[tilespmem:s14+$0x10000] =	vst v4;
	v4 =	vld [tilespmem:s26+$0x0];
	v7 =	vsel vm1, $0x0, v8  }
0xf2: {  	v8 =	vld [tilespmem:s2+$0x8000];
	v3 =	vadd.f32 v7, v9  }
0xf3: {  	v9 =	vld [tilespmem:s26+$0x8000]  }
0xf4: {  	[tilespmem:s0+$0x10000] =	vst v3;
	v3 =	vld [tilespmem:s9+$0x0]  }
0xf5: {  	v7 =	vld [tilespmem:s8+$0x0]  }
0xf6: {  	v10 =	vld [tilespmem:s9+$0x8000]  }
0xf7: {  	v1 =	vadd.f32 v5, v1;
	v5 =	vld [tilespmem:s8+$0x8000]  }
0xf8: {  	v2 =	vsel vm0, $0x0, v2;
	v0 =	vadd.f32 v0, v6;
	vm0 =	veq.f32 v4, $1.000000000e+00  }
0xf9: {  	[tilespmem:s30+$0x10000] =	vst v1;
	v1 =	vadd.f32 v2, v8;
	v2 =	vsel vm0, $0x0, v4;
	vm0 =	veq.f32 v3, $1.000000000e+00  }
0xfa: {  	[tilespmem:s31+$0x10000] =	vst v0;
	v2 =	vadd.f32 v2, v9;
	v0 =	vsel vm0, $0x0, v3;
	vm0 =	veq.f32 v7, $1.000000000e+00  }
0xfb: {  	[tilespmem:s2+$0x10000] =	vst v1;
	v1 =	vsel vm0, $0x0, v7;
	v0 =	vadd.f32 v0, v10  }
0xfc: {  	[tilespmem:s26+$0x10000] =	vst v2;
	v1 =	vadd.f32 v1, v5  }
0xfd: {  	s0 =	rddreg [dreg:$0x9];
	[tilespmem:s9+$0x10000] =	vst v0  }
0xfe: {  	s0 =	sadd.s32 s0, s29;
	[tilespmem:s8+$0x10000] =	vst v1  }
0xff: {  	s0 =	sshrl.u32 s0, $0x3;
	s1 =	rddreg [dreg:$0x4]  }
0x100: {  	s8 =	simm.s32 $0x10000;
	s0 =	sadd.s32 s1, s0  }
0x101: {  	[hbm4b:s0+s4] =	stream.linear.scatter [tilespmem:s8], [sflag:$0x5], $0x4000, $0x38;
	[tilespmem:$0x18000] =	vst v63  }
0x102: {  	p1 =	seq.s32 s28, $0x3;
	s0 =	rddreg [dreg:$0xa]  }
0x103: {  	s0 =	sadd.s32 @!p1 s29, s0  }
0x104: {  	s1 =	rddreg [dreg:$0x0];
	s0 =	sshrl.u32 @!p1 s0, $0x3  }
0x105: {  	s2 =	simm.s32 @!p1 $0x0;
	s1 =	sadd.s32 @!p1 s1, s0  }
0x106: {  	[tilespmem:s2], [sflag:$0x1] =	stream.linear.gather @!p1 [hbm4b:s1+s2], $0x4000, $0x38;
	[tilespmem:$0x18000] =	vst v63  }
0x107: {  	s1 =	rddreg [dreg:$0x1]  }
0x108: {  	s0 =	sadd.s32 @!p1 s1, s0;
	s1 =	simm.s32 @!p1 $0x8000  }
0x109: {  	[tilespmem:s1], [sflag:$0x3] =	stream.linear.gather @!p1 [hbm4b:s0+s2], $0x4000, $0x38;
	[tilespmem:$0x18000] =	vst v63  }
0x10a: {  	_ =	swait.ge [sflag:s21], $0x4000  }
0x10b: {  	[sflag:s21] =	ssyncset.done $0x0  }
0x10c: {  	[sflag:s21] =	ssyncadd.s32 $0xFFFFC000  }
0x10d: {  	_ =	swait.ge [sflag:s22], $0x4000  }
0x10e: {  	[sflag:s22] =	ssyncset.done $0x0  }
0x10f: {  	s0 =	simm.s32 @!p0 $0x6;
	[sflag:s22] =	ssyncadd.s32 $0xFFFFC000  }
0x110: {  	s9 =	simm.s32 $0x0;
	_ =	swait.ge @!p0 [sflag:s0], $0x4000  }
0x111: {  	s10 =	sand.u32 $0x40, s9;
	s1 =	sand.u32 $0x3C00, s9;
	[sflag:s0] =	ssyncset.done @!p0 $0x0  }
0x112: {  	s1 =	sor.u32 s10, s1;
	[sflag:s0] =	ssyncadd.s32 @!p0 $0xFFFFC000  }
0x113: {  	v0 =	vld [tilespmem:s1+$0xC030]  }
0x114: {  	v1 =	vld [tilespmem:s1+$0xC0B0]  }
0x115: {  	v2 =	vld [tilespmem:s1+$0x4030]  }
0x116: {  	v3 =	vld [tilespmem:s1+$0x40B0]  }
0x117: {  	v4 =	vld [tilespmem:s1+$0x4130]  }
0x118: {  	v5 =	vld [tilespmem:s1+$0x41B0]  }
0x119: {  	v6 =	vld [tilespmem:s1+$0xC130]  }
0x11a: {  	v7 =	vld [tilespmem:s1+$0xC1B0]  }
0x11b: {  	v8 =	vld [tilespmem:s1+$0x4000]  }
0x11c: {  	v9 =	vld [tilespmem:s1+$0x4080]  }
0x11d: {  	v10 =	vld [tilespmem:s1+$0x4020]  }
0x11e: {  	v11 =	vld [tilespmem:s1+$0x40A0];
	vm0 =	veq.f32 v2, $1.000000000e+00  }
0x11f: {  	v12 =	vld [tilespmem:s1+$0x4120];
	v2 =	vsel vm0, $0x0, v2;
	vm0 =	veq.f32 v3, $1.000000000e+00  }
0x120: {  	p0 =	por $0x0, $0x0;
	s0 =	simm.s32 $0x1;
	v13 =	vld [tilespmem:s1+$0x41A0];
	v0 =	vadd.f32 v2, v0;
	v2 =	vsel vm0, $0x0, v3;
	vm0 =	veq.f32 v4, $1.000000000e+00  }
0x121: {  	s0 =	simm.s32 @!p0 $0x0;
	v14 =	vld [tilespmem:s1+$0xC000];
	v1 =	vadd.f32 v2, v1;
	v2 =	vsel vm0, $0x0, v4;
	vm0 =	veq.f32 v5, $1.000000000e+00  }
0x122: {  	v15 =	vld [tilespmem:s1+$0xC080];
	s0 =	sshll.u32 s0, $0x6;
	[tilespmem:s1+$0x14030] =	vst v0;
	v0 =	vadd.f32 v2, v6;
	v2 =	vsel vm0, $0x0, v5  }
0x123: {  	v16 =	vld [tilespmem:s1+$0xC100];
	s0 =	sadd.s32 $0x0, s0;
	[tilespmem:s1+$0x140B0] =	vst v1;
	v1 =	vadd.f32 v2, v7  }
0x124: {  	v17 =	vld [tilespmem:s1+$0xC180];
	s3 =	sadd.s32 $0x30, s0;
	[tilespmem:s1+$0x14130] =	vst v0  }
0x125: {  	v39 =	vld [tilespmem:s1+$0xC090];
	s11 =	sor.u32 $0x4200, s3;
	[tilespmem:s1+$0x141B0] =	vst v1  }
0x126: {  	v1 =	vld [tilespmem:s11+$0x0]  }
0x127: {  	v3 =	vld [tilespmem:s1+$0x4100]  }
0x128: {  	v7 =	vld [tilespmem:s11+$0x8000]  }
0x129: {  	v4 =	vld [tilespmem:s1+$0x4180]  }
0x12a: {  	v5 =	vld [tilespmem:s1+$0x4010]  }
0x12b: {  	v2 =	vld [tilespmem:s1+$0x4090];
	vm0 =	veq.f32 v1, $1.000000000e+00  }
0x12c: {  	vm1 =	veq.f32 v8, $1.000000000e+00;
	v0 =	vld [tilespmem:s1+$0x4110];
	v1 =	vsel vm0, $0x0, v1  }
0x12d: {  	v8 =	vsel vm1, $0x0, v8;
	vm0 =	veq.f32 v9, $1.000000000e+00;
	v1 =	vadd.f32 v1, v7;
	v7 =	vld [tilespmem:s1+$0xC010]  }
0x12e: {  	v8 =	vadd.f32 v8, v14;
	v6 =	vld [tilespmem:s1+$0x4190];
	v9 =	vsel vm0, $0x0, v9;
	vm0 =	veq.f32 v3, $1.000000000e+00  }
0x12f: {  	v3 =	vsel vm0, $0x0, v3;
	vm0 =	veq.f32 v4, $1.000000000e+00;
	[tilespmem:s11+$0x10000] =	vst v1;
	v1 =	vadd.f32 v9, v15;
	v9 =	vld [tilespmem:s1+$0xC110]  }
0x130: {  	s5 =	sor.u32 $0x4280, s3;
	[tilespmem:s1+$0x14000] =	vst v8;
	v8 =	vld [tilespmem:s1+$0xC190];
	v4 =	vsel vm0, $0x0, v4;
	vm0 =	veq.f32 v5, $1.000000000e+00;
	v3 =	vadd.f32 v3, v16  }
0x131: {  	v5 =	vsel vm0, $0x0, v5;
	vm0 =	veq.f32 v2, $1.000000000e+00;
	v40 =	vld [tilespmem:s5+$0x0];
	[tilespmem:s1+$0x14080] =	vst v1;
	v1 =	vadd.f32 v4, v17  }
0x132: {  	v2 =	vsel vm0, $0x0, v2;
	vm0 =	veq.f32 v0, $1.000000000e+00;
	v4 =	vld [tilespmem:s5+$0x8000];
	[tilespmem:s1+$0x14100] =	vst v3;
	v3 =	vadd.f32 v5, v7  }
0x133: {  	v0 =	vsel vm0, $0x0, v0;
	vm0 =	veq.f32 v6, $1.000000000e+00;
	v5 =	vld [tilespmem:s1+$0xC020];
	[tilespmem:s1+$0x14180] =	vst v1;
	v1 =	vadd.f32 v2, v39  }
0x134: {  	v2 =	vsel vm0, $0x0, v6;
	v6 =	vld [tilespmem:s1+$0xC0A0];
	[tilespmem:s1+$0x14010] =	vst v3;
	v0 =	vadd.f32 v0, v9  }
0x135: {  	s7 =	sor.u32 $0x4200, s0;
	v3 =	vld [tilespmem:s1+$0xC120];
	[tilespmem:s1+$0x14090] =	vst v1;
	v1 =	vadd.f32 v2, v8  }
0x136: {  	s2 =	sadd.s32 $0x10, s0;
	v7 =	vld [tilespmem:s7+$0x0];
	vm0 =	veq.f32 v40, $1.000000000e+00;
	[tilespmem:s1+$0x14110] =	vst v0  }
0x137: {  	s12 =	sor.u32 $0x4200, s2;
	vm1 =	veq.f32 v10, $1.000000000e+00;
	v2 =	vld [tilespmem:s1+$0xC1A0];
	v0 =	vsel vm0, $0x0, v40;
	[tilespmem:s1+$0x14190] =	vst v1  }
0x138: {  	vm0 =	veq.f32 v11, $1.000000000e+00;
	v1 =	vsel vm1, $0x0, v10;
	v0 =	vadd.f32 v0, v4;
	v4 =	vld [tilespmem:s12+$0x0]  }
0x139: {  	v8 =	vsel vm0, $0x0, v11;
	vm0 =	veq.f32 v12, $1.000000000e+00;
	v1 =	vadd.f32 v1, v5;
	v5 =	vld [tilespmem:s7+$0x8000]  }
0x13a: {  	v9 =	vsel vm0, $0x0, v12;
	vm0 =	veq.f32 v13, $1.000000000e+00;
	[tilespmem:s5+$0x10000] =	vst v0;
	v0 =	vadd.f32 v8, v6  }
0x13b: {  	s13 =	sor.u32 $0x4300, s3;
	v6 =	vld [tilespmem:s12+$0x8000];
	v8 =	vsel vm0, $0x0, v13;
	[tilespmem:s1+$0x14020] =	vst v1;
	v1 =	vadd.f32 v9, v3  }
0x13c: {  	vm0 =	veq.f32 v7, $1.000000000e+00;
	[tilespmem:s1+$0x140A0] =	vst v0;
	v0 =	vadd.f32 v8, v2;
	v2 =	vld [tilespmem:s13+$0x0]  }
0x13d: {  	s6 =	sadd.s32 $0x20, s0;
	[tilespmem:s1+$0x14120] =	vst v1;
	v1 =	vsel vm0, $0x0, v7  }
0x13e: {  	s14 =	sor.u32 $0x4200, s6;
	v3 =	vld [tilespmem:s13+$0x8000];
	vm0 =	veq.f32 v4, $1.000000000e+00;
	[tilespmem:s1+$0x141A0] =	vst v0;
	v0 =	vadd.f32 v1, v5  }
0x13f: {  	v1 =	vsel vm0, $0x0, v4;
	v4 =	vld [tilespmem:s14+$0x0]  }
0x140: {  	s16 =	simm.s32 $0x200;
	s17 =	simm.s32 $0x40;
	s10 =	sor.u32 $0x4280, s0;
	v5 =	vld [tilespmem:s14+$0x8000];
	v1 =	vadd.f32 v1, v6;
	[tilespmem:s7+$0x10000] =	vst v0  }
0x141: {  	s5 =	sand.u32 $0x40, s17;
	s7 =	sor.u32 $0x4380, s3;
	s3 =	sand.u32 $0x3C00, s16;
	v0 =	vld [tilespmem:s10+$0x0];
	vm0 =	veq.f32 v2, $1.000000000e+00  }
0x142: {  	s3 =	sor.u32 s5, s3;
	[tilespmem:s12+$0x10000] =	vst v1;
	v1 =	vsel vm0, $0x0, v2;
	v2 =	vld [tilespmem:s10+$0x8000]  }
0x143: {  	v8 =	vld [tilespmem:s3+$0xC030]  }
0x144: {  	v9 =	vld [tilespmem:s3+$0xC0B0]  }
0x145: {  	v10 =	vld [tilespmem:s3+$0x4030]  }
0x146: {  	v11 =	vld [tilespmem:s3+$0x40B0]  }
0x147: {  	v41 =	vld [tilespmem:s3+$0x4130]  }
0x148: {  	v42 =	vld [tilespmem:s3+$0x41B0]  }
0x149: {  	v43 =	vld [tilespmem:s3+$0xC130]  }
0x14a: {  	v44 =	vld [tilespmem:s3+$0xC1B0]  }
0x14b: {  	v45 =	vld [tilespmem:s3+$0x4000]  }
0x14c: {  	v46 =	vld [tilespmem:s3+$0x4080]  }
0x14d: {  	s11 =	sor.u32 $0x4280, s2;
	v47 =	vld [tilespmem:s3+$0x4180]  }
0x14e: {  	v6 =	vld [tilespmem:s11+$0x0]  }
0x14f: {  	v48 =	vld [tilespmem:s3+$0x4010]  }
0x150: {  	v49 =	vld [tilespmem:s3+$0x4190];
	vm0 =	veq.f32 v4, $1.000000000e+00  }
0x151: {  	v18 =	vld [tilespmem:s3+$0x4020];
	v4 =	vsel vm0, $0x0, v4  }
0x152: {  	v19 =	vld [tilespmem:s3+$0x40A0];
	v4 =	vadd.f32 v4, v5;
	vm0 =	veq.f32 v0, $1.000000000e+00  }
0x153: {  	v20 =	vld [tilespmem:s3+$0x4120];
	v5 =	vsel vm0, $0x0, v0;
	vm0 =	veq.f32 v6, $1.000000000e+00  }
0x154: {  	v21 =	vld [tilespmem:s3+$0x41A0];
	[tilespmem:s14+$0x10000] =	vst v4;
	v4 =	vsel vm0, $0x0, v6;
	vm0 =	veq.f32 v10, $1.000000000e+00  }
0x155: {  	v22 =	vld [tilespmem:s3+$0xC000];
	v10 =	vsel vm0, $0x0, v10;
	vm0 =	veq.f32 v11, $1.000000000e+00  }
0x156: {  	p0 =	por !p0, !p0;
	s5 =	simm.s32 $0x1;
	v51 =	vld [tilespmem:s3+$0xC080];
	v8 =	vadd.f32 v10, v8;
	v10 =	vsel vm0, $0x0, v11;
	vm0 =	veq.f32 v41, $1.000000000e+00  }
0x157: {  	s5 =	simm.s32 @!p0 $0x0;
	v23 =	vld [tilespmem:s3+$0xC100];
	v9 =	vadd.f32 v10, v9;
	v10 =	vsel vm0, $0x0, v41;
	vm0 =	veq.f32 v42, $1.000000000e+00  }
0x158: {  	v24 =	vld [tilespmem:s3+$0xC180];
	s5 =	sshll.u32 s5, $0x6;
	[tilespmem:s3+$0x14030] =	vst v8;
	v8 =	vadd.f32 v10, v43;
	v10 =	vsel vm0, $0x0, v42  }
0x159: {  	v52 =	vld [tilespmem:s3+$0xC010];
	s16 =	sadd.s32 $0x200, s5;
	[tilespmem:s3+$0x140B0] =	vst v9;
	v9 =	vadd.f32 v10, v44  }
0x15a: {  	v53 =	vld [tilespmem:s3+$0xC090];
	s5 =	sadd.s32 $0x30, s16;
	[tilespmem:s3+$0x14130] =	vst v8  }
0x15b: {  	v54 =	vld [tilespmem:s3+$0xC110];
	s20 =	sor.u32 $0x4200, s5;
	[tilespmem:s3+$0x141B0] =	vst v9  }
0x15c: {  	v9 =	vld [tilespmem:s20+$0x0]  }
0x15d: {  	v55 =	vld [tilespmem:s3+$0xC190]  }
0x15e: {  	v50 =	vld [tilespmem:s20+$0x8000]  }
0x15f: {  	v56 =	vld [tilespmem:s3+$0xC020];
	v1 =	vadd.f32 v1, v3  }
0x160: {  	v57 =	vld [tilespmem:s3+$0xC0A0]  }
0x161: {  	v3 =	vld [tilespmem:s11+$0x8000];
	[tilespmem:s13+$0x10000] =	vst v1;
	vm0 =	veq.f32 v9, $1.000000000e+00  }
0x162: {  	v1 =	vld [tilespmem:s7+$0x0];
	v9 =	vsel vm0, $0x0, v9  }
0x163: {  	v0 =	vld [tilespmem:s7+$0x8000];
	v9 =	vadd.f32 v9, v50  }
0x164: {  	s15 =	sor.u32 $0x4280, s6;
	v11 =	vld [tilespmem:s3+$0x4100]  }
0x165: {  	s23 =	sor.u32 $0x4280, s5;
	v6 =	vld [tilespmem:s15+$0x0];
	[tilespmem:s20+$0x10000] =	vst v9  }
0x166: {  	v9 =	vld [tilespmem:s23+$0x0]  }
0x167: {  	v2 =	vadd.f32 v5, v2;
	v10 =	vld [tilespmem:s3+$0x4090];
	vm0 =	veq.f32 v45, $1.000000000e+00  }
0x168: {  	v3 =	vadd.f32 v4, v3;
	v16 =	vsel vm0, $0x0, v45;
	vm0 =	veq.f32 v46, $1.000000000e+00;
	v25 =	vld [tilespmem:s23+$0x8000]  }
0x169: {  	[tilespmem:s10+$0x10000] =	vst v2;
	v8 =	vld [tilespmem:s3+$0x4110];
	v17 =	vsel vm0, $0x0, v46;
	vm0 =	veq.f32 v11, $1.000000000e+00;
	v16 =	vadd.f32 v16, v22  }
0x16a: {  	s9 =	sor.u32 $0x4300, s0;
	v7 =	vld [tilespmem:s15+$0x8000];
	[tilespmem:s11+$0x10000] =	vst v3;
	v11 =	vsel vm0, $0x0, v11;
	vm0 =	veq.f32 v47, $1.000000000e+00;
	v15 =	vadd.f32 v17, v51  }
0x16b: {  	v4 =	vld [tilespmem:s9+$0x0];
	[tilespmem:s3+$0x14000] =	vst v16;
	v12 =	vsel vm0, $0x0, v47;
	v11 =	vadd.f32 v11, v23;
	vm0 =	veq.f32 v9, $1.000000000e+00  }
0x16c: {  	s8 =	sor.u32 $0x4300, s2;
	vm1 =	veq.f32 v48, $1.000000000e+00;
	v5 =	vld [tilespmem:s9+$0x8000];
	[tilespmem:s3+$0x14080] =	vst v15;
	v12 =	vadd.f32 v12, v24;
	v9 =	vsel vm0, $0x0, v9  }
0x16d: {  	v2 =	vld [tilespmem:s8+$0x0];
	[tilespmem:s3+$0x14100] =	vst v11;
	v11 =	vsel vm1, $0x0, v48;
	vm0 =	veq.f32 v10, $1.000000000e+00;
	v9 =	vadd.f32 v9, v25  }
0x16e: {  	v3 =	vld [tilespmem:s8+$0x8000];
	[tilespmem:s3+$0x14180] =	vst v12;
	v11 =	vadd.f32 v11, v52;
	v10 =	vsel vm0, $0x0, v10;
	vm0 =	veq.f32 v8, $1.000000000e+00  }
0x16f: {  	s24 =	sor.u32 $0x4300, s5;
	v10 =	vadd.f32 v10, v53;
	v8 =	vsel vm0, $0x0, v8;
	vm0 =	veq.f32 v49, $1.000000000e+00;
	[tilespmem:s23+$0x10000] =	vst v9;
	v9 =	vld [tilespmem:s3+$0xC120]  }
0x170: {  	[tilespmem:s3+$0x14010] =	vst v11;
	v11 =	vsel vm0, $0x0, v49;
	vm0 =	veq.f32 v6, $1.000000000e+00;
	v8 =	vadd.f32 v8, v54;
	v58 =	vld [tilespmem:s24+$0x0]  }
0x171: {  	[tilespmem:s3+$0x14090] =	vst v10;
	v6 =	vsel vm0, $0x0, v6;
	vm0 =	veq.f32 v18, $1.000000000e+00;
	v10 =	vadd.f32 v11, v55;
	v11 =	vld [tilespmem:s3+$0xC1A0]  }
0x172: {  	s13 =	sadd.s32 $0x10, s16;
	s25 =	sor.u32 $0x4200, s16;
	v6 =	vadd.f32 v6, v7;
	v7 =	vsel vm0, $0x0, v18;
	vm0 =	veq.f32 v19, $1.000000000e+00;
	[tilespmem:s3+$0x14110] =	vst v8;
	v8 =	vld [tilespmem:s24+$0x8000]  }
0x173: {  	s26 =	sor.u32 $0x4200, s13;
	v7 =	vadd.f32 v7, v56;
	v59 =	vsel vm0, $0x0, v19;
	vm0 =	veq.f32 v20, $1.000000000e+00;
	[tilespmem:s3+$0x14190] =	vst v10;
	v10 =	vld [tilespmem:s25+$0x0]  }
0x174: {  	[tilespmem:s15+$0x10000] =	vst v6;
	v6 =	vsel vm0, $0x0, v20;
	vm0 =	veq.f32 v21, $1.000000000e+00;
	v12 =	vadd.f32 v59, v57;
	v60 =	vld [tilespmem:s26+$0x0]  }
0x175: {  	v61 =	vsel vm0, $0x0, v21;
	[tilespmem:s3+$0x14020] =	vst v7;
	v6 =	vadd.f32 v6, v9;
	v7 =	vld [tilespmem:s25+$0x8000];
	vm0 =	veq.f32 v58, $1.000000000e+00  }
0x176: {  	s15 =	sor.u32 $0x4300, s6;
	v9 =	vld [tilespmem:s26+$0x8000];
	[tilespmem:s3+$0x140A0] =	vst v12;
	v11 =	vadd.f32 v61, v11;
	v62 =	vsel vm0, $0x0, v58  }
0x177: {  	s12 =	sadd.s32 $0x20, s16;
	[tilespmem:s3+$0x14120] =	vst v6;
	v6 =	vadd.f32 v62, v8;
	v8 =	vld [tilespmem:s15+$0x0]  }
0x178: {  	s17 =	sor.u32 $0x4200, s12;
	[tilespmem:s3+$0x141A0] =	vst v11;
	vm0 =	veq.f32 v10, $1.000000000e+00;
	v11 =	vld [tilespmem:s15+$0x8000]  }
0x179: {  	s20 =	sor.u32 $0x4380, s5;
	[tilespmem:s24+$0x10000] =	vst v6;
	v6 =	vsel vm0, $0x0, v10;
	vm0 =	veq.f32 v60, $1.000000000e+00;
	v10 =	vld [tilespmem:s17+$0x0]  }
0x17a: {  	v6 =	vadd.f32 v6, v7;
	v7 =	vsel vm0, $0x0, v60;
	v63 =	vld [tilespmem:s20+$0x0]  }
0x17b: {  	v7 =	vadd.f32 v7, v9;
	v9 =	vld [tilespmem:s17+$0x8000]  }
0x17c: {  	s23 =	sor.u32 $0x4280, s16;
	vm0 =	veq.f32 v4, $1.000000000e+00;
	[tilespmem:s25+$0x10000] =	vst v6;
	v6 =	vld [tilespmem:s20+$0x8000]  }
0x17d: {  	v4 =	vsel vm0, $0x0, v4;
	vm0 =	veq.f32 v2, $1.000000000e+00;
	[tilespmem:s26+$0x10000] =	vst v7;
	s26 =	sor.u32 $0x4280, s13;
	v7 =	vld [tilespmem:s23+$0x0]  }
0x17e: {  	v4 =	vadd.f32 v4, v5;
	v2 =	vsel vm0, $0x0, v2;
	v5 =	vld [tilespmem:s26+$0x0];
	vm0 =	veq.f32 v10, $1.000000000e+00  }
0x17f: {  	v2 =	vadd.f32 v2, v3;
	v3 =	vld [tilespmem:s23+$0x8000];
	v10 =	vsel vm0, $0x0, v10  }
0x180: {  	s31 =	sor.u32 $0x4380, s0;
	[tilespmem:s9+$0x10000] =	vst v4;
	v4 =	vld [tilespmem:s26+$0x8000];
	vm0 =	veq.f32 v8, $1.000000000e+00;
	v9 =	vadd.f32 v10, v9  }
0x181: {  	s30 =	sor.u32 $0x4380, s2;
	[tilespmem:s8+$0x10000] =	vst v2;
	v2 =	vsel vm0, $0x0, v8;
	v8 =	vld [tilespmem:s31+$0x0]  }
0x182: {  	s25 =	sor.u32 $0x4280, s12;
	v2 =	vadd.f32 v2, v11;
	vm0 =	veq.f32 v7, $1.000000000e+00;
	[tilespmem:s17+$0x10000] =	vst v9;
	v9 =	vld [tilespmem:s30+$0x0]  }
0x183: {  	v7 =	vsel vm0, $0x0, v7;
	vm0 =	veq.f32 v5, $1.000000000e+00;
	v10 =	vld [tilespmem:s25+$0x0]  }
0x184: {  	s2 =	sor.u32 $0x4380, s6;
	[tilespmem:s15+$0x10000] =	vst v2;
	v11 =	vld [tilespmem:s25+$0x8000];
	v3 =	vadd.f32 v7, v3;
	v2 =	vsel vm0, $0x0, v5  }
0x185: {  	vm0 =	veq.f32 v1, $1.000000000e+00;
	v4 =	vadd.f32 v2, v4;
	v2 =	vld [tilespmem:s2+$0x0]  }
0x186: {  	s24 =	sor.u32 $0x4300, s16;
	v5 =	vsel vm0, $0x0, v1;
	vm0 =	veq.f32 v63, $1.000000000e+00;
	v1 =	vld [tilespmem:s31+$0x8000];
	[tilespmem:s23+$0x10000] =	vst v3  }
0x187: {  	s14 =	sor.u32 $0x4300, s13;
	v0 =	vadd.f32 v5, v0;
	v5 =	vsel vm0, $0x0, v63;
	v3 =	vld [tilespmem:s24+$0x0];
	[tilespmem:s26+$0x10000] =	vst v4  }
0x188: {  	s0 =	sor.u32 $0x4300, s12;
	vm0 =	veq.f32 v8, $1.000000000e+00;
	v6 =	vadd.f32 v5, v6;
	v4 =	vld [tilespmem:s14+$0x0];
	vm1 =	veq.f32 v10, $1.000000000e+00  }
0x189: {  	s6 =	simm.s32 $0x400;
	s9 =	sor.u32 $0x4380, s13;
	s8 =	sor.u32 $0x4380, s12;
	v5 =	vsel vm0, $0x0, v8;
	vm0 =	veq.f32 v9, $1.000000000e+00;
	v7 =	vld [tilespmem:s24+$0x8000];
	[tilespmem:s7+$0x10000] =	vst v0;
	v8 =	vsel vm1, $0x0, v10  }
0x18a: {  	s15 =	simm.s32 $0x4;
	s26 =	sor.u32 $0x4380, s16;
	v0 =	vsel vm0, $0x0, v9;
	s7 =	simm.s32 $0x80;
	[tilespmem:s20+$0x10000] =	vst v6;
	v6 =	vld [tilespmem:s14+$0x8000];
	v8 =	vadd.f32 v8, v11;
	vm0 =	veq.f32 v2, $1.000000000e+00  }
.LBB2_5:
0x18b: {  	s1 =	sand.u32 $0x40, s7;
	s3 =	sand.u32 $0x3C00, s6;
	v1 =	vadd.f32 v5, v1;
	v5 =	vld [tilespmem:s30+$0x8000];
	v2 =	vsel vm0, $0x0, v2  }
0x18c: {  	s16 =	sor.u32 s1, s3;
	vm0 =	veq.f32 v3, $1.000000000e+00;
	[tilespmem:s25+$0x10000] =	vst v8;
	v8 =	vld [tilespmem:s2+$0x8000]  }
0x18d: {  	v9 =	vld [tilespmem:s16+$0xC030];
	v3 =	vsel vm0, $0x0, v3;
	vm0 =	veq.f32 v4, $1.000000000e+00;
	[tilespmem:s31+$0x10000] =	vst v1;
	s31 =	smov.u32 s26  }
0x18e: {  	v1 =	vld [tilespmem:s16+$0xC0B0];
	v3 =	vadd.f32 v3, v7;
	v4 =	vsel vm0, $0x0, v4  }
0x18f: {  	v7 =	vld [tilespmem:s16+$0x4030];
	v4 =	vadd.f32 v4, v6  }
0x190: {  	s15 =	sadd.s32 $0x4, s15;
	v6 =	vld [tilespmem:s16+$0x40B0];
	[tilespmem:s24+$0x10000] =	vst v3;
	v0 =	vadd.f32 v0, v5  }
0x191: {  	p2 =	slt.u32 s15, $0x7C;
	v3 =	vld [tilespmem:s16+$0x4130];
	[tilespmem:s14+$0x10000] =	vst v4;
	v2 =	vadd.f32 v2, v8  }
0x192: {  	v4 =	vld [tilespmem:s16+$0x41B0];
	[tilespmem:s30+$0x10000] =	vst v0;
	s30 =	smov.u32 s9  }
0x193: {  	v0 =	vld [tilespmem:s16+$0xC130];
	[tilespmem:s2+$0x10000] =	vst v2;
	s2 =	smov.u32 s8  }
0x194: {  	vm0 =	veq.f32 v7, $1.000000000e+00;
	v2 =	vld [tilespmem:s16+$0xC1B0]  }
0x195: {  	v5 =	vld [tilespmem:s16+$0x4000];
	v7 =	vsel vm0, $0x0, v7;
	vm0 =	veq.f32 v6, $1.000000000e+00  }
0x196: {  	p0 =	por !p0, !p0;
	s1 =	simm.s32 $0x1;
	v8 =	vld [tilespmem:s16+$0x4080];
	v7 =	vadd.f32 v7, v9;
	v6 =	vsel vm0, $0x0, v6;
	vm0 =	veq.f32 v3, $1.000000000e+00  }
0x197: {  	s1 =	simm.s32 @!p0 $0x0;
	v9 =	vld [tilespmem:s16+$0x4100];
	v1 =	vadd.f32 v6, v1;
	v3 =	vsel vm0, $0x0, v3;
	vm0 =	veq.f32 v4, $1.000000000e+00  }
0x198: {  	s1 =	sshll.u32 s1, $0x6;
	v6 =	vld [tilespmem:s16+$0x4180];
	[tilespmem:s16+$0x14030] =	vst v7;
	v0 =	vadd.f32 v3, v0;
	v3 =	vsel vm0, $0x0, v4  }
0x199: {  	s10 =	sadd.s32 s1, s6;
	v4 =	vld [tilespmem:s16+$0x4010];
	[tilespmem:s16+$0x140B0] =	vst v1;
	v1 =	vadd.f32 v3, v2  }
0x19a: {  	s11 =	sadd.s32 $0x20, s10;
	s13 =	sadd.s32 $0x30, s10;
	s8 =	sadd.s32 $0x10, s10;
	vm0 =	veq.f32 v5, $1.000000000e+00;
	v2 =	vld [tilespmem:s16+$0x4090];
	[tilespmem:s16+$0x14130] =	vst v0  }
0x19b: {  	s23 =	sor.u32 $0x4200, s11;
	s12 =	sor.u32 $0x4200, s13;
	s1 =	sor.u32 $0x4200, s8;
	v0 =	vsel vm0, $0x0, v5;
	vm0 =	veq.f32 v8, $1.000000000e+00;
	v3 =	vld [tilespmem:s16+$0x4110];
	[tilespmem:s16+$0x141B0] =	vst v1  }
0x19c: {  	s5 =	sor.u32 $0x4200, s10;
	s25 =	sor.u32 $0x4280, s11;
	s17 =	sor.u32 $0x4280, s8;
	v1 =	vsel vm0, $0x0, v8;
	vm0 =	veq.f32 v9, $1.000000000e+00;
	v5 =	vld [tilespmem:s12+$0x0]  }
0x19d: {  	s20 =	sor.u32 $0x4280, s10;
	s3 =	sor.u32 $0x4300, s11;
	s14 =	sor.u32 $0x4300, s8;
	v7 =	vsel vm0, $0x0, v9;
	vm0 =	veq.f32 v6, $1.000000000e+00;
	v8 =	vld [tilespmem:s16+$0x4190]  }
0x19e: {  	s24 =	sor.u32 $0x4300, s10;
	s9 =	sor.u32 $0x4380, s8;
	s8 =	sor.u32 $0x4380, s11;
	v6 =	vsel vm0, $0x0, v6;
	vm0 =	veq.f32 v4, $1.000000000e+00;
	v9 =	vld [tilespmem:s12+$0x8000]  }
0x19f: {  	s26 =	sor.u32 $0x4380, s10;
	v4 =	vsel vm0, $0x0, v4;
	vm0 =	veq.f32 v2, $1.000000000e+00;
	v10 =	vld [tilespmem:s16+$0x4020]  }
0x1a0: {  	v2 =	vsel vm0, $0x0, v2;
	vm0 =	veq.f32 v3, $1.000000000e+00;
	v11 =	vld [tilespmem:s16+$0x40A0]  }
0x1a1: {  	v3 =	vsel vm0, $0x0, v3;
	v12 =	vld [tilespmem:s16+$0x4120];
	vm0 =	veq.f32 v5, $1.000000000e+00  }
0x1a2: {  	vm1 =	veq.f32 v8, $1.000000000e+00;
	v13 =	vld [tilespmem:s16+$0x41A0];
	v5 =	vsel vm0, $0x0, v5  }
0x1a3: {  	v14 =	vld [tilespmem:s16+$0xC000];
	v8 =	vsel vm1, $0x0, v8;
	v5 =	vadd.f32 v5, v9  }
0x1a4: {  	v9 =	vld [tilespmem:s16+$0xC080];
	vm0 =	veq.f32 v10, $1.000000000e+00  }
0x1a5: {  	s10 =	sor.u32 $0x4280, s13;
	v15 =	vld [tilespmem:s16+$0xC100];
	v10 =	vsel vm0, $0x0, v10;
	vm0 =	veq.f32 v11, $1.000000000e+00;
	[tilespmem:s12+$0x10000] =	vst v5  }
0x1a6: {  	v5 =	vsel vm0, $0x0, v11;
	vm0 =	veq.f32 v12, $1.000000000e+00;
	v11 =	vld [tilespmem:s10+$0x0]  }
0x1a7: {  	v16 =	vld [tilespmem:s16+$0xC180];
	v12 =	vsel vm0, $0x0, v12;
	vm0 =	veq.f32 v13, $1.000000000e+00  }
0x1a8: {  	v0 =	vadd.f32 v0, v14;
	v13 =	vsel vm0, $0x0, v13;
	v14 =	vld [tilespmem:s10+$0x8000]  }
0x1a9: {  	v1 =	vadd.f32 v1, v9;
	v9 =	vld [tilespmem:s16+$0xC010]  }
0x1aa: {  	[tilespmem:s16+$0x14000] =	vst v0;
	v0 =	vadd.f32 v7, v15;
	v7 =	vld [tilespmem:s16+$0xC090]  }
0x1ab: {  	[tilespmem:s16+$0x14080] =	vst v1;
	v1 =	vld [tilespmem:s16+$0xC110];
	vm0 =	veq.f32 v11, $1.000000000e+00  }
0x1ac: {  	[tilespmem:s16+$0x14100] =	vst v0;
	v0 =	vadd.f32 v6, v16;
	v6 =	vld [tilespmem:s16+$0xC190];
	v11 =	vsel vm0, $0x0, v11  }
0x1ad: {  	v15 =	vld [tilespmem:s16+$0xC020];
	v11 =	vadd.f32 v11, v14  }
0x1ae: {  	[tilespmem:s16+$0x14180] =	vst v0;
	v0 =	vadd.f32 v4, v9;
	v4 =	vld [tilespmem:s16+$0xC0A0]  }
0x1af: {  	v2 =	vadd.f32 v2, v7;
	v7 =	vld [tilespmem:s16+$0xC120];
	[tilespmem:s10+$0x10000] =	vst v11;
	s10 =	sor.u32 $0x4300, s13  }
0x1b0: {  	[tilespmem:s16+$0x14010] =	vst v0;
	v0 =	vadd.f32 v3, v1;
	v1 =	vld [tilespmem:s10+$0x0]  }
0x1b1: {  	[tilespmem:s16+$0x14090] =	vst v2;
	v2 =	vadd.f32 v8, v6;
	v3 =	vld [tilespmem:s16+$0xC1A0]  }
0x1b2: {  	[tilespmem:s16+$0x14110] =	vst v0;
	v0 =	vadd.f32 v10, v15;
	v6 =	vld [tilespmem:s10+$0x8000]  }
0x1b3: {  	v8 =	vld [tilespmem:s5+$0x0];
	[tilespmem:s16+$0x14190] =	vst v2;
	v2 =	vadd.f32 v5, v4  }
0x1b4: {  	v4 =	vld [tilespmem:s1+$0x0];
	[tilespmem:s16+$0x14020] =	vst v0;
	v0 =	vadd.f32 v12, v7  }
0x1b5: {  	v5 =	vld [tilespmem:s5+$0x8000];
	[tilespmem:s16+$0x140A0] =	vst v2;
	vm0 =	veq.f32 v1, $1.000000000e+00  }
0x1b6: {  	v2 =	vld [tilespmem:s1+$0x8000];
	[tilespmem:s16+$0x14120] =	vst v0;
	v0 =	vadd.f32 v13, v3;
	v1 =	vsel vm0, $0x0, v1  }
0x1b7: {  	v1 =	vadd.f32 v1, v6;
	v3 =	vld [tilespmem:s0+$0x0]  }
0x1b8: {  	vm0 =	veq.f32 v8, $1.000000000e+00;
	[tilespmem:s16+$0x141A0] =	vst v0;
	v0 =	vld [tilespmem:s0+$0x8000]  }
0x1b9: {  	v6 =	vsel vm0, $0x0, v8;
	vm0 =	veq.f32 v4, $1.000000000e+00;
	v7 =	vld [tilespmem:s23+$0x0];
	[tilespmem:s10+$0x10000] =	vst v1;
	s10 =	sor.u32 $0x4380, s13  }
0x1ba: {  	v1 =	vadd.f32 v6, v5;
	v4 =	vsel vm0, $0x0, v4;
	v5 =	vld [tilespmem:s10+$0x0]  }
0x1bb: {  	v2 =	vadd.f32 v4, v2;
	v4 =	vld [tilespmem:s23+$0x8000]  }
0x1bc: {  	[tilespmem:s5+$0x10000] =	vst v1;
	v1 =	vld [tilespmem:s10+$0x8000];
	vm0 =	veq.f32 v3, $1.000000000e+00  }
0x1bd: {  	v6 =	vld [tilespmem:s20+$0x0];
	[tilespmem:s1+$0x10000] =	vst v2;
	v2 =	vsel vm0, $0x0, v3  }
0x1be: {  	v3 =	vld [tilespmem:s17+$0x0];
	vm0 =	veq.f32 v7, $1.000000000e+00;
	v0 =	vadd.f32 v2, v0  }
0x1bf: {  	v2 =	vld [tilespmem:s20+$0x8000];
	v7 =	vsel vm0, $0x0, v7;
	vm0 =	veq.f32 v5, $1.000000000e+00  }
0x1c0: {  	v8 =	vld [tilespmem:s17+$0x8000];
	v4 =	vadd.f32 v7, v4;
	v5 =	vsel vm0, $0x0, v5;
	[tilespmem:s0+$0x10000] =	vst v0;
	s0 =	smov.u32 s3  }
0x1c1: {  	v0 =	vadd.f32 v5, v1;
	v5 =	vld [tilespmem:s31+$0x0]  }
0x1c2: {  	vm0 =	veq.f32 v6, $1.000000000e+00;
	[tilespmem:s23+$0x10000] =	vst v4;
	v7 =	vld [tilespmem:s30+$0x0]  }
0x1c3: {  	v1 =	vsel vm0, $0x0, v6;
	vm0 =	veq.f32 v3, $1.000000000e+00;
	v6 =	vld [tilespmem:s25+$0x0];
	[tilespmem:s10+$0x10000] =	vst v0  }
0x1c4: {  	v0 =	vadd.f32 v1, v2;
	v1 =	vsel vm0, $0x0, v3;
	v9 =	vld [tilespmem:s25+$0x8000]  }
0x1c5: {  	v4 =	vadd.f32 v1, v8;
	v2 =	vld [tilespmem:s2+$0x0]  }
.Ltmp3:
0x1c6: {  	[tilespmem:s20+$0x10000] =	vst v0;
	v1 =	vld [tilespmem:s31+$0x8000];
	vm0 =	veq.f32 v5, $1.000000000e+00;
	(pc) =	sbr.rel @p2 .LBB2_5-.Ltmp3, $4  }
0x1c7: {  	v3 =	vld [tilespmem:s24+$0x0];
	[tilespmem:s17+$0x10000] =	vst v4;
	v5 =	vsel vm0, $0x0, v5;
	vm0 =	veq.f32 v7, $1.000000000e+00  }
0x1c8: {  	v4 =	vld [tilespmem:s14+$0x0];
	vm1 =	veq.f32 v6, $1.000000000e+00;
	v0 =	vsel vm0, $0x0, v7  }
0x1c9: {  	v7 =	vld [tilespmem:s24+$0x8000];
	v8 =	vsel vm1, $0x0, v6  }
0x1ca: {  	s7 =	sadd.s32 $0x40, s7;
	s6 =	sadd.s32 $0x200, s6;
	v6 =	vld [tilespmem:s14+$0x8000];
	v8 =	vadd.f32 v8, v9;
	vm0 =	veq.f32 v2, $1.000000000e+00  }
0x1cb: {  	_ = 	snop  }
0x1cc: {  	[tilespmem:s25+$0x10000] =	vst v8  }
0x1cd: {  	v8 =	vld [tilespmem:s0+$0x0];
	_ =	sdelay $0x1  }
0x1ce: {  	vm1 =	veq.f32 v3, $1.000000000e+00;
	v9 =	vld [tilespmem:s0+$0x8000]  }
0x1cf: {  	v3 =	vsel vm1, $0x0, v3  }
0x1d0: {  	vm11 =	veq.f32 v4, $1.000000000e+00;
	v3 =	vadd.f32 v3, v7  }
0x1d1: {  	v52 =	vld [tilespmem:s30+$0x8000];
	v4 =	vsel vm11, $0x0, v4;
	vm12 =	veq.f32 v8, $1.000000000e+00  }
0x1d2: {  	v53 =	vld [tilespmem:s2+$0x8000];
	v4 =	vadd.f32 v4, v6;
	[tilespmem:s24+$0x10000] =	vst v3;
	v51 =	vsel vm12, $0x0, v8  }
0x1d3: {  	v55 =	vld [tilespmem:s26+$0x0];
	v54 =	vadd.f32 v51, v9  }
0x1d4: {  	[tilespmem:s14+$0x10000] =	vst v4;
	v58 =	vld [tilespmem:s26+$0x8000]  }
0x1d5: {  	v56 =	vld [tilespmem:s9+$0x0];
	[tilespmem:s0+$0x10000] =	vst v54  }
0x1d6: {  	v57 =	vld [tilespmem:s8+$0x0]  }
0x1d7: {  	v10 =	vld [tilespmem:s9+$0x8000]  }
0x1d8: {  	v1 =	vadd.f32 v5, v1;
	v59 =	vld [tilespmem:s8+$0x8000]  }
0x1d9: {  	v2 =	vsel vm0, $0x0, v2;
	v0 =	vadd.f32 v0, v52;
	vm13 =	veq.f32 v55, $1.000000000e+00  }
0x1da: {  	[tilespmem:s31+$0x10000] =	vst v1;
	v60 =	vadd.f32 v2, v53;
	v61 =	vsel vm13, $0x0, v55;
	vm14 =	veq.f32 v56, $1.000000000e+00  }
0x1db: {  	[tilespmem:s30+$0x10000] =	vst v0;
	v62 =	vsel vm14, $0x0, v56;
	v2 =	vadd.f32 v61, v58;
	vm15 =	veq.f32 v57, $1.000000000e+00  }
0x1dc: {  	[tilespmem:s2+$0x10000] =	vst v60;
	v0 =	vadd.f32 v62, v10;
	v63 =	vsel vm15, $0x0, v57  }
0x1dd: {  	[tilespmem:s26+$0x10000] =	vst v2;
	v1 =	vadd.f32 v63, v59  }
.Ltmp4:
0x1de: {  	[tilespmem:s9+$0x10000] =	vst v0;
	(pc) =	sbr.rel @p1 .LBB2_8-.Ltmp4, $4  }
0x1df: {  	[tilespmem:s8+$0x10000] =	vst v1  }
0x1e0: {  	s30 =	sshll.u32 s28, $0xC;
	s1 =	rddreg [dreg:$0xb]  }
0x1e1: {  	s31 =	simm.s32 $0x14000;
	s0 =	sadd.s32 s30, s1  }
0x1e2: {  	[hbm4b:s0+s4] =	stream.linear.scatter [tilespmem:s31], [sflag:$0x6], $0x4000, $0x38;
	[tilespmem:$0x18000] =	vst v63  }
0x1e3: {  	s0 =	rddreg [dreg:$0xc]  }
0x1e4: {  	s0 =	sadd.s32 s29, s0  }
.Ltmp5:
0x1e5: {  	s1 =	rddreg [dreg:$0x0];
	s0 =	sshrl.u32 s0, $0x3;
	(pc) =	sbr.rel .LBB2_2-.Ltmp5, $4  }
0x1e6: {  	s2 =	simm.s32 $0x4000;
	s30 =	rddreg [dreg:$0x1];
	s1 =	sadd.s32 s1, s0  }
0x1e7: {  	[tilespmem:s2], [sflag:$0x2] =	stream.linear.gather [hbm4b:s1+s4], $0x4000, $0x38;
	[tilespmem:$0x18000] =	vst v63  }
0x1e8: {  	s31 =	simm.s32 $0xC000;
	s28 =	sadd.s32 $0x1, s28;
	s0 =	sadd.s32 s30, s0  }
0x1e9: {  	[tilespmem:s31], [sflag:$0x4] =	stream.linear.gather [hbm4b:s0+s4], $0x4000, $0x38;
	[tilespmem:$0x18000] =	vst v63  }
.LBB2_9:
0x1ea: {  	_ =	sfence.sel $0x180000  }
0x1eb: {  	[bflag:$0x0] =	sbarrier.arrive $0xFFFF  }
0x1ec: {  	_ =	strace $0x90000047  }
0x1ed: {  	s0 =	stileid.u32;
	[bflag:$0x2] =	sbarrier.arrive $0xFFFF  }
0x1ee: {  	p0 =	sne.s32 s0, $0x0;
	s0 =	rddreg [dreg:$0x3]  }
0x1ef: {  	s0 =	sadd.s32 @!p0 $0x100000, s0  }
0x1f0: {  	[sflag:s0] =	ssyncadd.tile.s32 @!p0 $0x1;
	_ =	shalt  }
.Lfunc_end2:
_tile_overlayer_lowered:
.L_overlay_start_2:
0x1f1: {  	(tag) =	ssettag $0x2  }
0x1f2: {  	s0 =	rddreg [dreg:$0x0];
	s2 =	stileid.u32  }
0x1f3: {  	s1 =	rddreg [dreg:$0x1];
	p0 =	sne.s32 s2, $0x0  }
0x1f4: {  	s3 =	rddreg [dreg:$0x2];
	[bflag:$0x3] =	sbarrier.arrive $0xFFFF;
	s2 =	simm.s32 @!p0 $0x1C07  }
0x1f5: {  	[timem:s3], [sflag:s2] =	dma.local @!p0 [hbm:s0], s1  }
0x1f6: {  	s0 =	simm.s32 @!p0 $0x7  }
0x1f7: {  	_ =	swait.ge @!p0 [sflag:s0], s1  }
0x1f8: {  	s1 =	ssub.s32 @!p0 $0x0, s1;
	[sflag:s0] =	ssyncset.done @!p0 $0x0  }
0x1f9: {  	[sflag:s0] =	ssyncadd.s32 @!p0 s1  }
0x1fa: {  	[bflag:$0x3] =	sbarrier.arrive $0xFFFF  }
0x1fb: {  	_ =	shalt  }

</sc_bundles>
